<compile_context>
chip_gen: v7x
topology: tpu7x:2x2x1
jax: 0.10.2.dev20260603
libtpu: 0.0.44.dev20260713+nightly
codegen_flags: <defaults>
</compile_context>

<pallas_src>
import functools

import jax
import jax.numpy as jnp
from jax import lax
from jax.experimental import pallas as pl
from jax.experimental.pallas import tpu as pltpu
from jax.experimental.pallas import tpu_sc as plsc

NC = 2
NS = 16
NW = NC * NS
B = 128


def _sc_degree(dst2d, n_pad, k):
    rpt = n_pad // NS

    mesh = plsc.VectorSubcoreMesh(core_axis_name="c", subcore_axis_name="s")

    @functools.partial(
        pl.kernel,
        out_type=jax.ShapeDtypeStruct((NC, n_pad), jnp.float32),
        mesh=mesh,
        compiler_params=pltpu.CompilerParams(use_tc_tiling_on_sc=False),
        scratch_types=[
            pltpu.VMEM((k, B), jnp.int32),
            pltpu.VMEM((B,), jnp.float32),
            pltpu.VMEM((B,), jnp.float32),
            pltpu.VMEM_SHARED((n_pad,), jnp.float32),
            pltpu.SemaphoreType.DMA,
        ],
    )
    def deg_kernel(dst_hbm, deg_out, dstv, onesv, zerov, deg_sh, dsem):
        c = lax.axis_index("c")
        s = lax.axis_index("s")
        w = c * NS + s
        for i in range(B // 16):
            onesv[pl.ds(i * 16, 16)] = jnp.full((16,), 1.0, jnp.float32)
            zerov[pl.ds(i * 16, 16)] = jnp.zeros((16,), jnp.float32)

        def zbody(j, carry):
            pltpu.async_copy(zerov, deg_sh.at[pl.ds(s * rpt + j * B, B)],
                             dsem)
            return carry

        lax.fori_loop(0, rpt // B, zbody, 0)
        pltpu.sync_copy(dst_hbm.at[pl.ds(w * k, k)], dstv)

        def zdrain(j, carry):
            pltpu.make_async_copy(
                zerov, deg_sh.at[pl.ds(s * rpt + j * B, B)], dsem).wait()
            return carry

        lax.fori_loop(0, rpt // B, zdrain, 0)
        plsc.subcore_barrier()

        def body(j, carry):
            pltpu.async_copy(onesv, deg_sh.at[dstv.at[j]], dsem, add=True)
            return carry

        lax.fori_loop(0, k, body, 0)

        def dbody(j, carry):
            pltpu.make_async_copy(onesv, deg_sh.at[dstv.at[j]], dsem).wait()
            return carry

        lax.fori_loop(0, k, dbody, 0)
        plsc.subcore_barrier()
        pltpu.sync_copy(deg_sh.at[pl.ds(s * rpt, rpt)],
                        deg_out.at[c, pl.ds(s * rpt, rpt)])

    return deg_kernel(dst2d)


def _sc_aggregate(y, src1d, dst2d, n_pad, k):
    ept = k * B
    k2 = k // 2
    ept2 = k2 * B
    rpt = n_pad // NS
    d = y.shape[1]

    mesh = plsc.VectorSubcoreMesh(core_axis_name="c", subcore_axis_name="s")

    @functools.partial(
        pl.kernel,
        out_type=jax.ShapeDtypeStruct((NC, n_pad, d), jnp.float32),
        mesh=mesh,
        compiler_params=pltpu.CompilerParams(use_tc_tiling_on_sc=False),
        scratch_types=[
            pltpu.VMEM((ept2,), jnp.int32),
            pltpu.VMEM((k2, B), jnp.int32),
            pltpu.VMEM((B, d), jnp.float32),
            pltpu.VMEM((B, d), jnp.float32),
            pltpu.VMEM_SHARED((n_pad, d), jnp.float32),
            pltpu.SemaphoreType.DMA,
            pltpu.SemaphoreType.DMA,
        ],
    )
    def agg_kernel(y_hbm, src_hbm, dst_hbm, out_hbm,
                   srcv, dstv, rows0, rows1, acc_sh, sem0, sem1):
        c = lax.axis_index("c")
        s = lax.axis_index("s")
        w = c * NS + s

        def zrow(i, carry):
            for j in range(d // 16):
                rows0[i, pl.ds(j * 16, 16)] = jnp.zeros((16,), jnp.float32)
            return carry

        lax.fori_loop(0, B, zrow, 0)

        def zbody(j, carry):
            pltpu.async_copy(rows0, acc_sh.at[pl.ds(s * rpt + j * B, B)],
                             sem0)
            return carry

        lax.fori_loop(0, rpt // B, zbody, 0)

        pltpu.sync_copy(src_hbm.at[pl.ds(w * ept, ept2)], srcv)
        pltpu.sync_copy(dst_hbm.at[pl.ds(w * k, k2)], dstv)

        def zdrain(j, carry):
            pltpu.make_async_copy(
                rows0, acc_sh.at[pl.ds(s * rpt + j * B, B)], sem0).wait()
            return carry

        lax.fori_loop(0, rpt // B, zdrain, 0)
        plsc.subcore_barrier()

        for h in range(2):
            if h == 1:
                pltpu.sync_copy(src_hbm.at[pl.ds(w * ept + ept2, ept2)],
                                srcv)
                pltpu.sync_copy(dst_hbm.at[pl.ds(w * k + k2, k2)], dstv)
            pltpu.async_copy(y_hbm.at[srcv.at[pl.ds(0, B)]], rows0, sem0)

            def body(i, carry):
                j0 = 2 * i
                pltpu.async_copy(
                    y_hbm.at[srcv.at[pl.ds((j0 + 1) * B, B)]], rows1, sem1)
                pltpu.make_async_copy(
                    y_hbm.at[srcv.at[pl.ds(j0 * B, B)]], rows0, sem0).wait()
                pltpu.sync_copy(rows0, acc_sh.at[dstv.at[j0]], add=True)

                @pl.when(i + 1 < k2 // 2)
                def _():
                    pltpu.async_copy(
                        y_hbm.at[srcv.at[pl.ds((j0 + 2) * B, B)]], rows0,
                        sem0)

                pltpu.make_async_copy(
                    y_hbm.at[srcv.at[pl.ds((j0 + 1) * B, B)]], rows1,
                    sem1).wait()
                pltpu.sync_copy(rows1, acc_sh.at[dstv.at[j0 + 1]], add=True)
                return carry

            lax.fori_loop(0, k2 // 2, body, 0)

        plsc.subcore_barrier()
        pltpu.sync_copy(acc_sh.at[pl.ds(s * rpt, rpt)],
                        out_hbm.at[c, pl.ds(s * rpt, rpt)])

    return agg_kernel(y, src1d, dst2d)


def _tc_scale_matmul(x, w1, dega, degb, blk):
    n, d_in = x.shape
    d_out = w1.shape[1]
    grid = (n // blk,)

    def body(x_ref, w_ref, a_ref, b_ref, y_ref):
        dis = lax.rsqrt(1.0 + a_ref[...] + b_ref[...])
        y_ref[...] = jnp.dot(x_ref[...], w_ref[...],
                             preferred_element_type=jnp.float32) * dis

    return pl.pallas_call(
        body,
        grid=grid,
        in_specs=[
            pl.BlockSpec((blk, d_in), lambda i: (i, 0)),
            pl.BlockSpec((d_in, d_out), lambda i: (0, 0)),
            pl.BlockSpec((blk, 1), lambda i: (i, 0)),
            pl.BlockSpec((blk, 1), lambda i: (i, 0)),
        ],
        out_specs=pl.BlockSpec((blk, d_out), lambda i: (i, 0)),
        out_shape=jax.ShapeDtypeStruct((n, d_out), jnp.float32),
    )(x, w1, dega, degb)


def _tc_epilogue_matmul(acc, y1, dega, degb, b1, w2, blk):
    n, d = y1.shape
    d_out = w2.shape[1]
    grid = (n // blk,)

    def body(acc_ref, y1_ref, a_ref, b_ref, b1_ref, w_ref, y2_ref):
        dis = lax.rsqrt(1.0 + a_ref[...] + b_ref[...])
        h = (acc_ref[0] + acc_ref[1] + y1_ref[...]) * dis + b1_ref[...]
        h = jnp.maximum(h, 0.0)
        y2_ref[...] = jnp.dot(h, w_ref[...],
                              preferred_element_type=jnp.float32) * dis

    return pl.pallas_call(
        body,
        grid=grid,
        in_specs=[
            pl.BlockSpec((NC, blk, d), lambda i: (0, i, 0)),
            pl.BlockSpec((blk, d), lambda i: (i, 0)),
            pl.BlockSpec((blk, 1), lambda i: (i, 0)),
            pl.BlockSpec((blk, 1), lambda i: (i, 0)),
            pl.BlockSpec((1, d), lambda i: (0, 0)),
            pl.BlockSpec((d, d_out), lambda i: (0, 0)),
        ],
        out_specs=pl.BlockSpec((blk, d_out), lambda i: (i, 0)),
        out_shape=jax.ShapeDtypeStruct((n, d_out), jnp.float32),
    )(acc, y1, dega, degb, b1, w2)


def _tc_final(acc, y2, dega, degb, b2, blk):
    n, d = y2.shape
    grid = (n // blk,)

    def body(acc_ref, y2_ref, a_ref, b_ref, b2_ref, o_ref):
        dis = lax.rsqrt(1.0 + a_ref[...] + b_ref[...])
        o_ref[...] = (acc_ref[0] + acc_ref[1] + y2_ref[...]) * dis \
            + b2_ref[...]

    return pl.pallas_call(
        body,
        grid=grid,
        in_specs=[
            pl.BlockSpec((NC, blk, d), lambda i: (0, i, 0)),
            pl.BlockSpec((blk, d), lambda i: (i, 0)),
            pl.BlockSpec((blk, 1), lambda i: (i, 0)),
            pl.BlockSpec((blk, 1), lambda i: (i, 0)),
            pl.BlockSpec((1, d), lambda i: (0, 0)),
        ],
        out_specs=pl.BlockSpec((blk, d), lambda i: (i, 0)),
        out_shape=jax.ShapeDtypeStruct((n, d), jnp.float32),
    )(acc, y2, dega, degb, b2)


def kernel(x, edge_index, W1, b1, W2, b2):
    n, d_in = x.shape
    e = edge_index.shape[1]

    k = -(-e // (NW * B * 8)) * 8
    e_pad = NW * k * B
    n_pad = -(-(n + 1) // (B * NS)) * (B * NS)
    n_dummy = n_pad - n

    src = edge_index[0].astype(jnp.int32)
    dst = edge_index[1].astype(jnp.int32)
    npe = e_pad - e
    pad_idx = jnp.arange(npe, dtype=jnp.int32)
    src1d = jnp.concatenate([src, (pad_idx * 997) % n])
    dst2d = jnp.concatenate([dst, n + pad_idx % n_dummy]).reshape(NW * k, B)

    degp = _sc_degree(dst2d, n_pad, k)
    dega = degp[0].reshape(n_pad, 1)
    degb = degp[1].reshape(n_pad, 1)

    blk = 2000
    y1 = _tc_scale_matmul(x, W1, dega, degb, blk)
    acc1 = _sc_aggregate(y1, src1d, dst2d, n_pad, k)
    y2 = _tc_epilogue_matmul(acc1, y1, dega, degb, b1.reshape(1, -1), W2,
                             blk)
    acc2 = _sc_aggregate(y2, src1d, dst2d, n_pad, k)
    out = _tc_final(acc2, y2, dega, degb, b2.reshape(1, -1), blk)
    return out

# --- scband reference (transcript-rebuilt; emitter-appended) ---
"""Pipeline reference for scband-gnnmodel-85804856639676 (READ-ONLY COPY).

The authoritative reference and input builder live on the scoring server;
editing this copy changes nothing except your own understanding.
"""

import jax, jax.numpy as jnp
import numpy as np

N = 10000
E = 320000
D_IN = 128
D_HID = 128
D_OUT = 128


def _gcn_conv(x, src, dst, W, b):
    # PyG GCNConv (with self-loops already appended to src/dst):
    # out = D^{-1/2} (A+I) D^{-1/2} X W + b
    n = x.shape[0]
    xw = x @ W
    deg = jnp.zeros((n,), dtype=x.dtype).at[dst].add(1.0)
    dis = jnp.where(deg > 0, 1.0 / jnp.sqrt(deg), 0.0)
    norm = dis[src] * dis[dst]
    msg = xw[src] * norm[:, None]
    out = jnp.zeros((n, W.shape[1]), dtype=x.dtype).at[dst].add(msg)
    return out + b


def setup_inputs(seed: int = 0) -> dict:
    key = jax.random.key(seed)
    k1, k2, k3, k4, k5, k6 = jax.random.split(key, 6)
    x = jax.random.normal(k1, (N, D_IN), dtype=jnp.float32)
    edge_index = jax.random.randint(k2, (2, E), 0, N)
    W1 = jax.random.normal(k3, (D_IN, D_HID), dtype=jnp.float32) * (1.0 / np.sqrt(D_IN))
    b1 = jax.random.normal(k4, (D_HID,), dtype=jnp.float32) * 0.02
    W2 = jax.random.normal(k5, (D_HID, D_OUT), dtype=jnp.float32) * (1.0 / np.sqrt(D_HID))
    b2 = jax.random.normal(k6, (D_OUT,), dtype=jnp.float32) * 0.02
    return {"x": x, "edge_index": edge_index, "W1": W1, "b1": b1, "W2": W2, "b2": b2}


def reference(x, edge_index, W1, b1, W2, b2):
    # GNNModel forward (eval mode: dropout is identity):
    # GCNConv(c_in->c_hidden) -> ReLU -> GCNConv(c_hidden->c_out)
    n = x.shape[0]
    loop = jnp.arange(n, dtype=edge_index.dtype)
    src = jnp.concatenate([edge_index[0], loop])
    dst = jnp.concatenate([edge_index[1], loop])
    h = _gcn_conv(x, src, dst, W1, b1)
    h = jax.nn.relu(h)
    out = _gcn_conv(h, src, dst, W2, b2)
    return out

if __name__ == "__main__":
    import jax
    _d = setup_inputs()
    print(jax.jit(kernel)(*tuple(_d.values())))

</pallas_src>

<mosaic_0001>
#map = affine_map<(d0, d1) -> (0, 0)>
#map1 = affine_map<(d0, d1) -> (0)>
#map2 = affine_map<(d0, d1) -> (0, 0, 0)>
module attributes {stable_mosaic.version = 14 : i64} {
  func.func @agg_kernel(%arg0: i32, %arg1: i32, %arg2: memref<10000x128xf32, #tpu.memory_space<hbm>>, %arg3: memref<327680xi32, #tpu.memory_space<hbm>>, %arg4: memref<2560x128xi32, #tpu.memory_space<hbm>>, %arg5: memref<2x10240x128xf32, #tpu.memory_space<hbm>>, %arg6: memref<5120xi32, #tpu.memory_space<vmem>>, %arg7: memref<40x128xi32, #tpu.memory_space<vmem>>, %arg8: memref<128x128xf32, #tpu.memory_space<vmem>>, %arg9: memref<128x128xf32, #tpu.memory_space<vmem>>, %arg10: memref<10240x128xf32, #tpu.memory_space<vmem_shared>>, %arg11: memref<!tpu.dma_semaphore, #tpu.memory_space<semaphore_mem>>, %arg12: memref<!tpu.dma_semaphore, #tpu.memory_space<semaphore_mem>>) attributes {dimension_semantics = [#tpu.dimension_semantics<core_parallel>, #tpu.dimension_semantics<subcore_parallel>], iteration_bounds = array<i64: 2, 16>, scalar_prefetch = 0 : i64, scratch_operands = 7 : i64, tpu.core_type = #tpu.core_type<sc_vector_subcore>, window_params = [{transform_indices = #map}, {transform_indices = #map1}, {transform_indices = #map}, {transform_indices = #map2}]} {
    %mul3A = arith.constant 16 : i32
    %mul3A_0 = arith.muli %arg0, %mul3A : i32
    %add3A = arith.addi %mul3A_0, %arg1 : i32
    %scan3A = arith.constant 0 : i32
    %scan3A_1 = arith.constant 0 : i32
    %scan3A_2 = arith.constant 128 : i32
    %scan3A_3 = arith.addi %scan3A_1, %scan3A_2 : i32
    %scan3A_4 = arith.constant 1 : i32
    scf.for %scan3A_56 = %scan3A_1 to %scan3A_3 step %scan3A_4  : i32 {
      %broadcast_in_dim3A = arith.constant 0.000000e+00 : f32
      %broadcast_in_dim3A_57 = vector.broadcast %broadcast_in_dim3A : f32 to vector<16xf32>
      %swap3A = arith.index_cast %scan3A_56 : i32 to index
      %swap3A_58 = arith.constant 0 : index
      %swap3A_59 = tpu.vector_load %arg8[%swap3A, %swap3A_58] {strides = array<i32>} : memref<128x128xf32, #tpu.memory_space<vmem>>, vector<1x16xf32>,
      %swap3A_60 = vector.shape_cast %swap3A_59 : vector<1x16xf32> to vector<16xf32>
      %swap3A_61 = vector.shape_cast %broadcast_in_dim3A_57 : vector<16xf32> to vector<1x16xf32>
      tpu.vector_store %arg8[%swap3A, %swap3A_58], %swap3A_61 {strides = array<i32>} : memref<128x128xf32, #tpu.memory_space<vmem>>, vector<1x16xf32>,
      %broadcast_in_dim3A_62 = arith.constant 0.000000e+00 : f32
      %broadcast_in_dim3A_63 = vector.broadcast %broadcast_in_dim3A_62 : f32 to vector<16xf32>
      %swap3A_64 = arith.index_cast %scan3A_56 : i32 to index
      %swap3A_65 = arith.constant 16 : index
      %swap3A_66 = tpu.vector_load %arg8[%swap3A_64, %swap3A_65] {strides = array<i32>} : memref<128x128xf32, #tpu.memory_space<vmem>>, vector<1x16xf32>,
      %swap3A_67 = vector.shape_cast %swap3A_66 : vector<1x16xf32> to vector<16xf32>
      %swap3A_68 = vector.shape_cast %broadcast_in_dim3A_63 : vector<16xf32> to vector<1x16xf32>
      tpu.vector_store %arg8[%swap3A_64, %swap3A_65], %swap3A_68 {strides = array<i32>} : memref<128x128xf32, #tpu.memory_space<vmem>>, vector<1x16xf32>,
      %broadcast_in_dim3A_69 = arith.constant 0.000000e+00 : f32
      %broadcast_in_dim3A_70 = vector.broadcast %broadcast_in_dim3A_69 : f32 to vector<16xf32>
      %swap3A_71 = arith.index_cast %scan3A_56 : i32 to index
      %swap3A_72 = arith.constant 32 : index
      %swap3A_73 = tpu.vector_load %arg8[%swap3A_71, %swap3A_72] {strides = array<i32>} : memref<128x128xf32, #tpu.memory_space<vmem>>, vector<1x16xf32>,
      %swap3A_74 = vector.shape_cast %swap3A_73 : vector<1x16xf32> to vector<16xf32>
      %swap3A_75 = vector.shape_cast %broadcast_in_dim3A_70 : vector<16xf32> to vector<1x16xf32>
      tpu.vector_store %arg8[%swap3A_71, %swap3A_72], %swap3A_75 {strides = array<i32>} : memref<128x128xf32, #tpu.memory_space<vmem>>, vector<1x16xf32>,
      %broadcast_in_dim3A_76 = arith.constant 0.000000e+00 : f32
      %broadcast_in_dim3A_77 = vector.broadcast %broadcast_in_dim3A_76 : f32 to vector<16xf32>
      %swap3A_78 = arith.index_cast %scan3A_56 : i32 to index
      %swap3A_79 = arith.constant 48 : index
      %swap3A_80 = tpu.vector_load %arg8[%swap3A_78, %swap3A_79] {strides = array<i32>} : memref<128x128xf32, #tpu.memory_space<vmem>>, vector<1x16xf32>,
      %swap3A_81 = vector.shape_cast %swap3A_80 : vector<1x16xf32> to vector<16xf32>
      %swap3A_82 = vector.shape_cast %broadcast_in_dim3A_77 : vector<16xf32> to vector<1x16xf32>
      tpu.vector_store %arg8[%swap3A_78, %swap3A_79], %swap3A_82 {strides = array<i32>} : memref<128x128xf32, #tpu.memory_space<vmem>>, vector<1x16xf32>,
      %broadcast_in_dim3A_83 = arith.constant 0.000000e+00 : f32
      %broadcast_in_dim3A_84 = vector.broadcast %broadcast_in_dim3A_83 : f32 to vector<16xf32>
      %swap3A_85 = arith.index_cast %scan3A_56 : i32 to index
      %swap3A_86 = arith.constant 64 : index
      %swap3A_87 = tpu.vector_load %arg8[%swap3A_85, %swap3A_86] {strides = array<i32>} : memref<128x128xf32, #tpu.memory_space<vmem>>, vector<1x16xf32>,
      %swap3A_88 = vector.shape_cast %swap3A_87 : vector<1x16xf32> to vector<16xf32>
      %swap3A_89 = vector.shape_cast %broadcast_in_dim3A_84 : vector<16xf32> to vector<1x16xf32>
      tpu.vector_store %arg8[%swap3A_85, %swap3A_86], %swap3A_89 {strides = array<i32>} : memref<128x128xf32, #tpu.memory_space<vmem>>, vector<1x16xf32>,
      %broadcast_in_dim3A_90 = arith.constant 0.000000e+00 : f32
      %broadcast_in_dim3A_91 = vector.broadcast %broadcast_in_dim3A_90 : f32 to vector<16xf32>
      %swap3A_92 = arith.index_cast %scan3A_56 : i32 to index
      %swap3A_93 = arith.constant 80 : index
      %swap3A_94 = tpu.vector_load %arg8[%swap3A_92, %swap3A_93] {strides = array<i32>} : memref<128x128xf32, #tpu.memory_space<vmem>>, vector<1x16xf32>,
      %swap3A_95 = vector.shape_cast %swap3A_94 : vector<1x16xf32> to vector<16xf32>
      %swap3A_96 = vector.shape_cast %broadcast_in_dim3A_91 : vector<16xf32> to vector<1x16xf32>
      tpu.vector_store %arg8[%swap3A_92, %swap3A_93], %swap3A_96 {strides = array<i32>} : memref<128x128xf32, #tpu.memory_space<vmem>>, vector<1x16xf32>,
      %broadcast_in_dim3A_97 = arith.constant 0.000000e+00 : f32
      %broadcast_in_dim3A_98 = vector.broadcast %broadcast_in_dim3A_97 : f32 to vector<16xf32>
      %swap3A_99 = arith.index_cast %scan3A_56 : i32 to index
      %swap3A_100 = arith.constant 96 : index
      %swap3A_101 = tpu.vector_load %arg8[%swap3A_99, %swap3A_100] {strides = array<i32>} : memref<128x128xf32, #tpu.memory_space<vmem>>, vector<1x16xf32>,
      %swap3A_102 = vector.shape_cast %swap3A_101 : vector<1x16xf32> to vector<16xf32>
      %swap3A_103 = vector.shape_cast %broadcast_in_dim3A_98 : vector<16xf32> to vector<1x16xf32>
      tpu.vector_store %arg8[%swap3A_99, %swap3A_100], %swap3A_103 {strides = array<i32>} : memref<128x128xf32, #tpu.memory_space<vmem>>, vector<1x16xf32>,
      %broadcast_in_dim3A_104 = arith.constant 0.000000e+00 : f32
      %broadcast_in_dim3A_105 = vector.broadcast %broadcast_in_dim3A_104 : f32 to vector<16xf32>
      %swap3A_106 = arith.index_cast %scan3A_56 : i32 to index
      %swap3A_107 = arith.constant 112 : index
      %swap3A_108 = tpu.vector_load %arg8[%swap3A_106, %swap3A_107] {strides = array<i32>} : memref<128x128xf32, #tpu.memory_space<vmem>>, vector<1x16xf32>,
      %swap3A_109 = vector.shape_cast %swap3A_108 : vector<1x16xf32> to vector<16xf32>
      %swap3A_110 = vector.shape_cast %broadcast_in_dim3A_105 : vector<16xf32> to vector<1x16xf32>
      tpu.vector_store %arg8[%swap3A_106, %swap3A_107], %swap3A_110 {strides = array<i32>} : memref<128x128xf32, #tpu.memory_space<vmem>>, vector<1x16xf32>,
    }
    %scan3A_5 = arith.constant 128 : i32
    %scan3A_6 = arith.constant 0 : i32
    %scan3A_7 = arith.constant 0 : i32
    %scan3A_8 = arith.constant 5 : i32
    %scan3A_9 = arith.addi %scan3A_7, %scan3A_8 : i32
    %scan3A_10 = arith.constant 1 : i32
    scf.for %scan3A_56 = %scan3A_7 to %scan3A_9 step %scan3A_10  : i32 {
      %mul3A_57 = arith.constant 640 : i32
      %mul3A_58 = arith.muli %arg1, %mul3A_57 : i32
      %mul3A_59 = arith.constant 128 : i32
      %mul3A_60 = arith.muli %scan3A_56, %mul3A_59 : i32
      %add3A_61 = arith.addi %mul3A_58, %mul3A_60 : i32
      %dma_start3A_62 = arith.constant 0 : i32
      %dma_start3A_63 = tpu.memref_slice %arg10[%add3A_61, %dma_start3A_62] : memref<10240x128xf32, #tpu.memory_space<vmem_shared>> -> memref<128x128xf32, #tpu.memory_space<vmem_shared>>
      %dma_start3A_64 = arith.constant 0 : i32
      %dma_start3A_65 = tpu.memref_slice %arg10[%add3A_61, %dma_start3A_64] : memref<10240x128xf32, #tpu.memory_space<vmem_shared>> -> memref<128x128xf32, #tpu.memory_space<vmem_shared>>
      tpu.enqueue_dma source(%arg8 : memref<128x128xf32, #tpu.memory_space<vmem>>) target(%dma_start3A_65 : memref<128x128xf32, #tpu.memory_space<vmem_shared>>) target_semaphore(%arg11 : memref<!tpu.dma_semaphore, #tpu.memory_space<semaphore_mem>>)
    }
    %scan3A_11 = arith.constant 5 : i32
    %mul3A_12 = arith.constant 10240 : i32
    %mul3A_13 = arith.muli %add3A, %mul3A_12 : i32
    "tpu.region"() ({
      %run_scoped3A = tpu.sem_alloc : memref<!tpu.dma_semaphore, #tpu.memory_space<semaphore_mem>>
      %dma_start3A_56 = tpu.memref_slice %arg3[%mul3A_13] : memref<327680xi32, #tpu.memory_space<hbm>> -> memref<5120xi32, #tpu.memory_space<hbm>>
      %dma_start3A_57 = tpu.memref_slice %arg3[%mul3A_13] : memref<327680xi32, #tpu.memory_space<hbm>> -> memref<5120xi32, #tpu.memory_space<hbm>>
      tpu.enqueue_dma source(%dma_start3A_57 : memref<5120xi32, #tpu.memory_space<hbm>>) target(%arg6 : memref<5120xi32, #tpu.memory_space<vmem>>) target_semaphore(%run_scoped3A : memref<!tpu.dma_semaphore, #tpu.memory_space<semaphore_mem>>)
      %dma_wait3A = tpu.memref_slice %arg3[%mul3A_13] : memref<327680xi32, #tpu.memory_space<hbm>> -> memref<5120xi32, #tpu.memory_space<hbm>>
      %dma_wait3A_58 = tpu.memref_slice %arg3[%mul3A_13] : memref<327680xi32, #tpu.memory_space<hbm>> -> memref<5120xi32, #tpu.memory_space<hbm>>
      tpu.wait_dma2 semaphore(%run_scoped3A : memref<!tpu.dma_semaphore, #tpu.memory_space<semaphore_mem>>) src(%dma_wait3A_58 : memref<5120xi32, #tpu.memory_space<hbm>>) dst(%arg6 : memref<5120xi32, #tpu.memory_space<vmem>>)
      tpu.yield
    }) : () -> ()
    %mul3A_14 = arith.constant 80 : i32
    %mul3A_15 = arith.muli %add3A, %mul3A_14 : i32
    "tpu.region"() ({
      %run_scoped3A = tpu.sem_alloc : memref<!tpu.dma_semaphore, #tpu.memory_space<semaphore_mem>>
      %dma_start3A_56 = arith.constant 0 : i32
      %dma_start3A_57 = tpu.memref_slice %arg4[%mul3A_15, %dma_start3A_56] : memref<2560x128xi32, #tpu.memory_space<hbm>> -> memref<40x128xi32, #tpu.memory_space<hbm>>
      %dma_start3A_58 = arith.constant 0 : i32
      %dma_start3A_59 = tpu.memref_slice %arg4[%mul3A_15, %dma_start3A_58] : memref<2560x128xi32, #tpu.memory_space<hbm>> -> memref<40x128xi32, #tpu.memory_space<hbm>>
      tpu.enqueue_dma source(%dma_start3A_59 : memref<40x128xi32, #tpu.memory_space<hbm>>) target(%arg7 : memref<40x128xi32, #tpu.memory_space<vmem>>) target_semaphore(%run_scoped3A : memref<!tpu.dma_semaphore, #tpu.memory_space<semaphore_mem>>)
      %dma_wait3A = arith.constant 0 : i32
      %dma_wait3A_60 = tpu.memref_slice %arg4[%mul3A_15, %dma_wait3A] : memref<2560x128xi32, #tpu.memory_space<hbm>> -> memref<40x128xi32, #tpu.memory_space<hbm>>
      %dma_wait3A_61 = arith.constant 0 : i32
      %dma_wait3A_62 = tpu.memref_slice %arg4[%mul3A_15, %dma_wait3A_61] : memref<2560x128xi32, #tpu.memory_space<hbm>> -> memref<40x128xi32, #tpu.memory_space<hbm>>
      tpu.wait_dma2 semaphore(%run_scoped3A : memref<!tpu.dma_semaphore, #tpu.memory_space<semaphore_mem>>) src(%dma_wait3A_62 : memref<40x128xi32, #tpu.memory_space<hbm>>) dst(%arg7 : memref<40x128xi32, #tpu.memory_space<vmem>>)
      tpu.yield
    }) : () -> ()
    %scan3A_16 = arith.constant 0 : i32
    %scan3A_17 = arith.constant 0 : i32
    %scan3A_18 = arith.constant 5 : i32
    %scan3A_19 = arith.addi %scan3A_17, %scan3A_18 : i32
    %scan3A_20 = arith.constant 1 : i32
    scf.for %scan3A_56 = %scan3A_17 to %scan3A_19 step %scan3A_20  : i32 {
      %mul3A_57 = arith.constant 640 : i32
      %mul3A_58 = arith.muli %arg1, %mul3A_57 : i32
      %mul3A_59 = arith.constant 128 : i32
      %mul3A_60 = arith.muli %scan3A_56, %mul3A_59 : i32
      %add3A_61 = arith.addi %mul3A_58, %mul3A_60 : i32
      %dma_wait3A = arith.constant 0 : i32
      %dma_wait3A_62 = tpu.memref_slice %arg10[%add3A_61, %dma_wait3A] : memref<10240x128xf32, #tpu.memory_space<vmem_shared>> -> memref<128x128xf32, #tpu.memory_space<vmem_shared>>
      %dma_wait3A_63 = arith.constant 0 : i32
      %dma_wait3A_64 = tpu.memref_slice %arg10[%add3A_61, %dma_wait3A_63] : memref<10240x128xf32, #tpu.memory_space<vmem_shared>> -> memref<128x128xf32, #tpu.memory_space<vmem_shared>>
      tpu.wait_dma2 semaphore(%arg11 : memref<!tpu.dma_semaphore, #tpu.memory_space<semaphore_mem>>) src(%arg8 : memref<128x128xf32, #tpu.memory_space<vmem>>) dst(%dma_wait3A_64 : memref<128x128xf32, #tpu.memory_space<vmem_shared>>)
    }
    %scan3A_21 = arith.constant 5 : i32
    %barrier3A = arith.constant 0 : index
    tpu.barrier barrier_id(%barrier3A)
    %dma_start3A = arith.constant 0 : i32
    %dma_start3A_22 = tpu.memref_slice %arg6[%dma_start3A] : memref<5120xi32, #tpu.memory_space<vmem>> -> memref<128xi32, #tpu.memory_space<vmem>>
    %dma_start3A_23 = arith.constant 0 : i32
    %dma_start3A_24 = arith.constant 0 : i32
    %dma_start3A_25 = tpu.memref_slice %arg2[%dma_start3A_23, %dma_start3A_24] : memref<10000x128xf32, #tpu.memory_space<hbm>> -> memref<10000x128xf32, #tpu.memory_space<hbm>>
    tpu.enqueue_indirect_dma source(%dma_start3A_25 : memref<10000x128xf32, #tpu.memory_space<hbm>>) target(%arg8 : memref<128x128xf32, #tpu.memory_space<vmem>>) offsets(%dma_start3A_22 : memref<128xi32, #tpu.memory_space<vmem>>) semaphore(%arg11 : memref<!tpu.dma_semaphore, #tpu.memory_space<semaphore_mem>>)
    %scan3A_26 = arith.constant 0 : i32
    %scan3A_27 = arith.constant 0 : i32
    %scan3A_28 = arith.constant 20 : i32
    %scan3A_29 = arith.addi %scan3A_27, %scan3A_28 : i32
    %scan3A_30 = arith.constant 1 : i32
    scf.for %scan3A_56 = %scan3A_27 to %scan3A_29 step %scan3A_30  : i32 {
      %mul3A_57 = arith.constant 2 : i32
      %mul3A_58 = arith.muli %mul3A_57, %scan3A_56 : i32
      %add3A_59 = arith.constant 1 : i32
      %add3A_60 = arith.addi %mul3A_58, %add3A_59 : i32
      %mul3A_61 = arith.constant 128 : i32
      %mul3A_62 = arith.muli %add3A_60, %mul3A_61 : i32
      %dma_start3A_63 = tpu.memref_slice %arg6[%mul3A_62] : memref<5120xi32, #tpu.memory_space<vmem>> -> memref<128xi32, #tpu.memory_space<vmem>>
      %dma_start3A_64 = arith.constant 0 : i32
      %dma_start3A_65 = arith.constant 0 : i32
      %dma_start3A_66 = tpu.memref_slice %arg2[%dma_start3A_64, %dma_start3A_65] : memref<10000x128xf32, #tpu.memory_space<hbm>> -> memref<10000x128xf32, #tpu.memory_space<hbm>>
      tpu.enqueue_indirect_dma source(%dma_start3A_66 : memref<10000x128xf32, #tpu.memory_space<hbm>>) target(%arg9 : memref<128x128xf32, #tpu.memory_space<vmem>>) offsets(%dma_start3A_63 : memref<128xi32, #tpu.memory_space<vmem>>) semaphore(%arg12 : memref<!tpu.dma_semaphore, #tpu.memory_space<semaphore_mem>>)
      %mul3A_67 = arith.constant 128 : i32
      %mul3A_68 = arith.muli %mul3A_58, %mul3A_67 : i32
      %dma_wait3A = tpu.memref_slice %arg6[%mul3A_68] : memref<5120xi32, #tpu.memory_space<vmem>> -> memref<128xi32, #tpu.memory_space<vmem>>
      %dma_wait3A_69 = arith.constant 0 : i32
      %dma_wait3A_70 = arith.constant 0 : i32
      %dma_wait3A_71 = tpu.memref_slice %arg2[%dma_wait3A_69, %dma_wait3A_70] : memref<10000x128xf32, #tpu.memory_space<hbm>> -> memref<10000x128xf32, #tpu.memory_space<hbm>>
      tpu.wait_indirect_dma semaphore(%arg11 : memref<!tpu.dma_semaphore, #tpu.memory_space<semaphore_mem>>) src(%dma_wait3A_71 : memref<10000x128xf32, #tpu.memory_space<hbm>>) dst(%arg8 : memref<128x128xf32, #tpu.memory_space<vmem>>)
      "tpu.region"() ({
        %run_scoped3A = tpu.sem_alloc : memref<!tpu.dma_semaphore, #tpu.memory_space<semaphore_mem>>
        %dma_start3A_86 = arith.constant 0 : i32
        %dma_start3A_87 = tpu.memref_slice %arg7[%mul3A_58, %dma_start3A_86] : memref<40x128xi32, #tpu.memory_space<vmem>> -> memref<1x128xi32, #tpu.memory_space<vmem>>
        %dma_start3A_88 = tpu.memref_squeeze %dma_start3A_87 : memref<1x128xi32, #tpu.memory_space<vmem>> -> memref<128xi32, #tpu.memory_space<vmem>>
        %dma_start3A_89 = arith.constant 0 : i32
        %dma_start3A_90 = arith.constant 0 : i32
        %dma_start3A_91 = tpu.memref_slice %arg10[%dma_start3A_89, %dma_start3A_90] : memref<10240x128xf32, #tpu.memory_space<vmem_shared>> -> memref<10240x128xf32, #tpu.memory_space<vmem_shared>>
        tpu.enqueue_indirect_dma source(%arg8 : memref<128x128xf32, #tpu.memory_space<vmem>>) target(%dma_start3A_91 : memref<10240x128xf32, #tpu.memory_space<vmem_shared>>) offsets(%dma_start3A_88 : memref<128xi32, #tpu.memory_space<vmem>>) semaphore(%run_scoped3A : memref<!tpu.dma_semaphore, #tpu.memory_space<semaphore_mem>>) {add = true}
        %dma_wait3A_92 = arith.constant 0 : i32
        %dma_wait3A_93 = tpu.memref_slice %arg7[%mul3A_58, %dma_wait3A_92] : memref<40x128xi32, #tpu.memory_space<vmem>> -> memref<1x128xi32, #tpu.memory_space<vmem>>
        %dma_wait3A_94 = tpu.memref_squeeze %dma_wait3A_93 : memref<1x128xi32, #tpu.memory_space<vmem>> -> memref<128xi32, #tpu.memory_space<vmem>>
        %dma_wait3A_95 = arith.constant 0 : i32
        %dma_wait3A_96 = arith.constant 0 : i32
        %dma_wait3A_97 = tpu.memref_slice %arg10[%dma_wait3A_95, %dma_wait3A_96] : memref<10240x128xf32, #tpu.memory_space<vmem_shared>> -> memref<10240x128xf32, #tpu.memory_space<vmem_shared>>
        tpu.wait_indirect_dma semaphore(%run_scoped3A : memref<!tpu.dma_semaphore, #tpu.memory_space<semaphore_mem>>) src(%arg8 : memref<128x128xf32, #tpu.memory_space<vmem>>) dst(%dma_wait3A_97 : memref<10240x128xf32, #tpu.memory_space<vmem_shared>>)
        tpu.yield
      }) : () -> ()
      %add3A_72 = arith.constant 1 : i32
      %add3A_73 = arith.addi %scan3A_56, %add3A_72 : i32
      %lt3A = arith.constant 20 : i32
      %lt3A_74 = arith.cmpi slt, %add3A_73, %lt3A : i32
      %convert_element_type3A = arith.extui %lt3A_74 : i1 to i32
      %cond3A = arith.constant 0 : i32
      %cond3A_75 = arith.cmpi ne, %convert_element_type3A, %cond3A : i32
      scf.if %cond3A_75 {
        %add3A_86 = arith.constant 2 : i32
        %add3A_87 = arith.addi %mul3A_58, %add3A_86 : i32
        %mul3A_88 = arith.constant 128 : i32
        %mul3A_89 = arith.muli %add3A_87, %mul3A_88 : i32
        %dma_start3A_90 = tpu.memref_slice %arg6[%mul3A_89] : memref<5120xi32, #tpu.memory_space<vmem>> -> memref<128xi32, #tpu.memory_space<vmem>>
        %dma_start3A_91 = arith.constant 0 : i32
        %dma_start3A_92 = arith.constant 0 : i32
        %dma_start3A_93 = tpu.memref_slice %arg2[%dma_start3A_91, %dma_start3A_92] : memref<10000x128xf32, #tpu.memory_space<hbm>> -> memref<10000x128xf32, #tpu.memory_space<hbm>>
        tpu.enqueue_indirect_dma source(%dma_start3A_93 : memref<10000x128xf32, #tpu.memory_space<hbm>>) target(%arg8 : memref<128x128xf32, #tpu.memory_space<vmem>>) offsets(%dma_start3A_90 : memref<128xi32, #tpu.memory_space<vmem>>) semaphore(%arg11 : memref<!tpu.dma_semaphore, #tpu.memory_space<semaphore_mem>>)
      } else {
      }
      %add3A_76 = arith.constant 1 : i32
      %add3A_77 = arith.addi %mul3A_58, %add3A_76 : i32
      %mul3A_78 = arith.constant 128 : i32
      %mul3A_79 = arith.muli %add3A_77, %mul3A_78 : i32
      %dma_wait3A_80 = tpu.memref_slice %arg6[%mul3A_79] : memref<5120xi32, #tpu.memory_space<vmem>> -> memref<128xi32, #tpu.memory_space<vmem>>
      %dma_wait3A_81 = arith.constant 0 : i32
      %dma_wait3A_82 = arith.constant 0 : i32
      %dma_wait3A_83 = tpu.memref_slice %arg2[%dma_wait3A_81, %dma_wait3A_82] : memref<10000x128xf32, #tpu.memory_space<hbm>> -> memref<10000x128xf32, #tpu.memory_space<hbm>>
      tpu.wait_indirect_dma semaphore(%arg12 : memref<!tpu.dma_semaphore, #tpu.memory_space<semaphore_mem>>) src(%dma_wait3A_83 : memref<10000x128xf32, #tpu.memory_space<hbm>>) dst(%arg9 : memref<128x128xf32, #tpu.memory_space<vmem>>)
      %add3A_84 = arith.constant 1 : i32
      %add3A_85 = arith.addi %mul3A_58, %add3A_84 : i32
      "tpu.region"() ({
        %run_scoped3A = tpu.sem_alloc : memref<!tpu.dma_semaphore, #tpu.memory_space<semaphore_mem>>
        %dma_start3A_86 = arith.constant 0 : i32
        %dma_start3A_87 = tpu.memref_slice %arg7[%add3A_85, %dma_start3A_86] : memref<40x128xi32, #tpu.memory_space<vmem>> -> memref<1x128xi32, #tpu.memory_space<vmem>>
        %dma_start3A_88 = tpu.memref_squeeze %dma_start3A_87 : memref<1x128xi32, #tpu.memory_space<vmem>> -> memref<128xi32, #tpu.memory_space<vmem>>
        %dma_start3A_89 = arith.constant 0 : i32
        %dma_start3A_90 = arith.constant 0 : i32
        %dma_start3A_91 = tpu.memref_slice %arg10[%dma_start3A_89, %dma_start3A_90] : memref<10240x128xf32, #tpu.memory_space<vmem_shared>> -> memref<10240x128xf32, #tpu.memory_space<vmem_shared>>
        tpu.enqueue_indirect_dma source(%arg9 : memref<128x128xf32, #tpu.memory_space<vmem>>) target(%dma_start3A_91 : memref<10240x128xf32, #tpu.memory_space<vmem_shared>>) offsets(%dma_start3A_88 : memref<128xi32, #tpu.memory_space<vmem>>) semaphore(%run_scoped3A : memref<!tpu.dma_semaphore, #tpu.memory_space<semaphore_mem>>) {add = true}
        %dma_wait3A_92 = arith.constant 0 : i32
        %dma_wait3A_93 = tpu.memref_slice %arg7[%add3A_85, %dma_wait3A_92] : memref<40x128xi32, #tpu.memory_space<vmem>> -> memref<1x128xi32, #tpu.memory_space<vmem>>
        %dma_wait3A_94 = tpu.memref_squeeze %dma_wait3A_93 : memref<1x128xi32, #tpu.memory_space<vmem>> -> memref<128xi32, #tpu.memory_space<vmem>>
        %dma_wait3A_95 = arith.constant 0 : i32
        %dma_wait3A_96 = arith.constant 0 : i32
        %dma_wait3A_97 = tpu.memref_slice %arg10[%dma_wait3A_95, %dma_wait3A_96] : memref<10240x128xf32, #tpu.memory_space<vmem_shared>> -> memref<10240x128xf32, #tpu.memory_space<vmem_shared>>
        tpu.wait_indirect_dma semaphore(%run_scoped3A : memref<!tpu.dma_semaphore, #tpu.memory_space<semaphore_mem>>) src(%arg9 : memref<128x128xf32, #tpu.memory_space<vmem>>) dst(%dma_wait3A_97 : memref<10240x128xf32, #tpu.memory_space<vmem_shared>>)
        tpu.yield
      }) : () -> ()
    }
    %scan3A_31 = arith.constant 20 : i32
    %mul3A_32 = arith.constant 10240 : i32
    %mul3A_33 = arith.muli %add3A, %mul3A_32 : i32
    %add3A_34 = arith.constant 5120 : i32
    %add3A_35 = arith.addi %mul3A_33, %add3A_34 : i32
    "tpu.region"() ({
      %run_scoped3A = tpu.sem_alloc : memref<!tpu.dma_semaphore, #tpu.memory_space<semaphore_mem>>
      %dma_start3A_56 = tpu.memref_slice %arg3[%add3A_35] : memref<327680xi32, #tpu.memory_space<hbm>> -> memref<5120xi32, #tpu.memory_space<hbm>>
      %dma_start3A_57 = tpu.memref_slice %arg3[%add3A_35] : memref<327680xi32, #tpu.memory_space<hbm>> -> memref<5120xi32, #tpu.memory_space<hbm>>
      tpu.enqueue_dma source(%dma_start3A_57 : memref<5120xi32, #tpu.memory_space<hbm>>) target(%arg6 : memref<5120xi32, #tpu.memory_space<vmem>>) target_semaphore(%run_scoped3A : memref<!tpu.dma_semaphore, #tpu.memory_space<semaphore_mem>>)
      %dma_wait3A = tpu.memref_slice %arg3[%add3A_35] : memref<327680xi32, #tpu.memory_space<hbm>> -> memref<5120xi32, #tpu.memory_space<hbm>>
      %dma_wait3A_58 = tpu.memref_slice %arg3[%add3A_35] : memref<327680xi32, #tpu.memory_space<hbm>> -> memref<5120xi32, #tpu.memory_space<hbm>>
      tpu.wait_dma2 semaphore(%run_scoped3A : memref<!tpu.dma_semaphore, #tpu.memory_space<semaphore_mem>>) src(%dma_wait3A_58 : memref<5120xi32, #tpu.memory_space<hbm>>) dst(%arg6 : memref<5120xi32, #tpu.memory_space<vmem>>)
      tpu.yield
    }) : () -> ()
    %mul3A_36 = arith.constant 80 : i32
    %mul3A_37 = arith.muli %add3A, %mul3A_36 : i32
    %add3A_38 = arith.constant 40 : i32
    %add3A_39 = arith.addi %mul3A_37, %add3A_38 : i32
    "tpu.region"() ({
      %run_scoped3A = tpu.sem_alloc : memref<!tpu.dma_semaphore, #tpu.memory_space<semaphore_mem>>
      %dma_start3A_56 = arith.constant 0 : i32
      %dma_start3A_57 = tpu.memref_slice %arg4[%add3A_39, %dma_start3A_56] : memref<2560x128xi32, #tpu.memory_space<hbm>> -> memref<40x128xi32, #tpu.memory_space<hbm>>
      %dma_start3A_58 = arith.constant 0 : i32
      %dma_start3A_59 = tpu.memref_slice %arg4[%add3A_39, %dma_start3A_58] : memref<2560x128xi32, #tpu.memory_space<hbm>> -> memref<40x128xi32, #tpu.memory_space<hbm>>
      tpu.enqueue_dma source(%dma_start3A_59 : memref<40x128xi32, #tpu.memory_space<hbm>>) target(%arg7 : memref<40x128xi32, #tpu.memory_space<vmem>>) target_semaphore(%run_scoped3A : memref<!tpu.dma_semaphore, #tpu.memory_space<semaphore_mem>>)
      %dma_wait3A = arith.constant 0 : i32
      %dma_wait3A_60 = tpu.memref_slice %arg4[%add3A_39, %dma_wait3A] : memref<2560x128xi32, #tpu.memory_space<hbm>> -> memref<40x128xi32, #tpu.memory_space<hbm>>
      %dma_wait3A_61 = arith.constant 0 : i32
      %dma_wait3A_62 = tpu.memref_slice %arg4[%add3A_39, %dma_wait3A_61] : memref<2560x128xi32, #tpu.memory_space<hbm>> -> memref<40x128xi32, #tpu.memory_space<hbm>>
      tpu.wait_dma2 semaphore(%run_scoped3A : memref<!tpu.dma_semaphore, #tpu.memory_space<semaphore_mem>>) src(%dma_wait3A_62 : memref<40x128xi32, #tpu.memory_space<hbm>>) dst(%arg7 : memref<40x128xi32, #tpu.memory_space<vmem>>)
      tpu.yield
    }) : () -> ()
    %dma_start3A_40 = arith.constant 0 : i32
    %dma_start3A_41 = tpu.memref_slice %arg6[%dma_start3A_40] : memref<5120xi32, #tpu.memory_space<vmem>> -> memref<128xi32, #tpu.memory_space<vmem>>
    %dma_start3A_42 = arith.constant 0 : i32
    %dma_start3A_43 = arith.constant 0 : i32
    %dma_start3A_44 = tpu.memref_slice %arg2[%dma_start3A_42, %dma_start3A_43] : memref<10000x128xf32, #tpu.memory_space<hbm>> -> memref<10000x128xf32, #tpu.memory_space<hbm>>
    tpu.enqueue_indirect_dma source(%dma_start3A_44 : memref<10000x128xf32, #tpu.memory_space<hbm>>) target(%arg8 : memref<128x128xf32, #tpu.memory_space<vmem>>) offsets(%dma_start3A_41 : memref<128xi32, #tpu.memory_space<vmem>>) semaphore(%arg11 : memref<!tpu.dma_semaphore, #tpu.memory_space<semaphore_mem>>)
    %scan3A_45 = arith.constant 0 : i32
    %scan3A_46 = arith.constant 0 : i32
    %scan3A_47 = arith.constant 20 : i32
    %scan3A_48 = arith.addi %scan3A_46, %scan3A_47 : i32
    %scan3A_49 = arith.constant 1 : i32
    scf.for %scan3A_56 = %scan3A_46 to %scan3A_48 step %scan3A_49  : i32 {
      %mul3A_57 = arith.constant 2 : i32
      %mul3A_58 = arith.muli %mul3A_57, %scan3A_56 : i32
      %add3A_59 = arith.constant 1 : i32
      %add3A_60 = arith.addi %mul3A_58, %add3A_59 : i32
      %mul3A_61 = arith.constant 128 : i32
      %mul3A_62 = arith.muli %add3A_60, %mul3A_61 : i32
      %dma_start3A_63 = tpu.memref_slice %arg6[%mul3A_62] : memref<5120xi32, #tpu.memory_space<vmem>> -> memref<128xi32, #tpu.memory_space<vmem>>
      %dma_start3A_64 = arith.constant 0 : i32
      %dma_start3A_65 = arith.constant 0 : i32
      %dma_start3A_66 = tpu.memref_slice %arg2[%dma_start3A_64, %dma_start3A_65] : memref<10000x128xf32, #tpu.memory_space<hbm>> -> memref<10000x128xf32, #tpu.memory_space<hbm>>
      tpu.enqueue_indirect_dma source(%dma_start3A_66 : memref<10000x128xf32, #tpu.memory_space<hbm>>) target(%arg9 : memref<128x128xf32, #tpu.memory_space<vmem>>) offsets(%dma_start3A_63 : memref<128xi32, #tpu.memory_space<vmem>>) semaphore(%arg12 : memref<!tpu.dma_semaphore, #tpu.memory_space<semaphore_mem>>)
      %mul3A_67 = arith.constant 128 : i32
      %mul3A_68 = arith.muli %mul3A_58, %mul3A_67 : i32
      %dma_wait3A = tpu.memref_slice %arg6[%mul3A_68] : memref<5120xi32, #tpu.memory_space<vmem>> -> memref<128xi32, #tpu.memory_space<vmem>>
      %dma_wait3A_69 = arith.constant 0 : i32
      %dma_wait3A_70 = arith.constant 0 : i32
      %dma_wait3A_71 = tpu.memref_slice %arg2[%dma_wait3A_69, %dma_wait3A_70] : memref<10000x128xf32, #tpu.memory_space<hbm>> -> memref<10000x128xf32, #tpu.memory_space<hbm>>
      tpu.wait_indirect_dma semaphore(%arg11 : memref<!tpu.dma_semaphore, #tpu.memory_space<semaphore_mem>>) src(%dma_wait3A_71 : memref<10000x128xf32, #tpu.memory_space<hbm>>) dst(%arg8 : memref<128x128xf32, #tpu.memory_space<vmem>>)
      "tpu.region"() ({
        %run_scoped3A = tpu.sem_alloc : memref<!tpu.dma_semaphore, #tpu.memory_space<semaphore_mem>>
        %dma_start3A_86 = arith.constant 0 : i32
        %dma_start3A_87 = tpu.memref_slice %arg7[%mul3A_58, %dma_start3A_86] : memref<40x128xi32, #tpu.memory_space<vmem>> -> memref<1x128xi32, #tpu.memory_space<vmem>>
        %dma_start3A_88 = tpu.memref_squeeze %dma_start3A_87 : memref<1x128xi32, #tpu.memory_space<vmem>> -> memref<128xi32, #tpu.memory_space<vmem>>
        %dma_start3A_89 = arith.constant 0 : i32
        %dma_start3A_90 = arith.constant 0 : i32
        %dma_start3A_91 = tpu.memref_slice %arg10[%dma_start3A_89, %dma_start3A_90] : memref<10240x128xf32, #tpu.memory_space<vmem_shared>> -> memref<10240x128xf32, #tpu.memory_space<vmem_shared>>
        tpu.enqueue_indirect_dma source(%arg8 : memref<128x128xf32, #tpu.memory_space<vmem>>) target(%dma_start3A_91 : memref<10240x128xf32, #tpu.memory_space<vmem_shared>>) offsets(%dma_start3A_88 : memref<128xi32, #tpu.memory_space<vmem>>) semaphore(%run_scoped3A : memref<!tpu.dma_semaphore, #tpu.memory_space<semaphore_mem>>) {add = true}
        %dma_wait3A_92 = arith.constant 0 : i32
        %dma_wait3A_93 = tpu.memref_slice %arg7[%mul3A_58, %dma_wait3A_92] : memref<40x128xi32, #tpu.memory_space<vmem>> -> memref<1x128xi32, #tpu.memory_space<vmem>>
        %dma_wait3A_94 = tpu.memref_squeeze %dma_wait3A_93 : memref<1x128xi32, #tpu.memory_space<vmem>> -> memref<128xi32, #tpu.memory_space<vmem>>
        %dma_wait3A_95 = arith.constant 0 : i32
        %dma_wait3A_96 = arith.constant 0 : i32
        %dma_wait3A_97 = tpu.memref_slice %arg10[%dma_wait3A_95, %dma_wait3A_96] : memref<10240x128xf32, #tpu.memory_space<vmem_shared>> -> memref<10240x128xf32, #tpu.memory_space<vmem_shared>>
        tpu.wait_indirect_dma semaphore(%run_scoped3A : memref<!tpu.dma_semaphore, #tpu.memory_space<semaphore_mem>>) src(%arg8 : memref<128x128xf32, #tpu.memory_space<vmem>>) dst(%dma_wait3A_97 : memref<10240x128xf32, #tpu.memory_space<vmem_shared>>)
        tpu.yield
      }) : () -> ()
      %add3A_72 = arith.constant 1 : i32
      %add3A_73 = arith.addi %scan3A_56, %add3A_72 : i32
      %lt3A = arith.constant 20 : i32
      %lt3A_74 = arith.cmpi slt, %add3A_73, %lt3A : i32
      %convert_element_type3A = arith.extui %lt3A_74 : i1 to i32
      %cond3A = arith.constant 0 : i32
      %cond3A_75 = arith.cmpi ne, %convert_element_type3A, %cond3A : i32
      scf.if %cond3A_75 {
        %add3A_86 = arith.constant 2 : i32
        %add3A_87 = arith.addi %mul3A_58, %add3A_86 : i32
        %mul3A_88 = arith.constant 128 : i32
        %mul3A_89 = arith.muli %add3A_87, %mul3A_88 : i32
        %dma_start3A_90 = tpu.memref_slice %arg6[%mul3A_89] : memref<5120xi32, #tpu.memory_space<vmem>> -> memref<128xi32, #tpu.memory_space<vmem>>
        %dma_start3A_91 = arith.constant 0 : i32
        %dma_start3A_92 = arith.constant 0 : i32
        %dma_start3A_93 = tpu.memref_slice %arg2[%dma_start3A_91, %dma_start3A_92] : memref<10000x128xf32, #tpu.memory_space<hbm>> -> memref<10000x128xf32, #tpu.memory_space<hbm>>
        tpu.enqueue_indirect_dma source(%dma_start3A_93 : memref<10000x128xf32, #tpu.memory_space<hbm>>) target(%arg8 : memref<128x128xf32, #tpu.memory_space<vmem>>) offsets(%dma_start3A_90 : memref<128xi32, #tpu.memory_space<vmem>>) semaphore(%arg11 : memref<!tpu.dma_semaphore, #tpu.memory_space<semaphore_mem>>)
      } else {
      }
      %add3A_76 = arith.constant 1 : i32
      %add3A_77 = arith.addi %mul3A_58, %add3A_76 : i32
      %mul3A_78 = arith.constant 128 : i32
      %mul3A_79 = arith.muli %add3A_77, %mul3A_78 : i32
      %dma_wait3A_80 = tpu.memref_slice %arg6[%mul3A_79] : memref<5120xi32, #tpu.memory_space<vmem>> -> memref<128xi32, #tpu.memory_space<vmem>>
      %dma_wait3A_81 = arith.constant 0 : i32
      %dma_wait3A_82 = arith.constant 0 : i32
      %dma_wait3A_83 = tpu.memref_slice %arg2[%dma_wait3A_81, %dma_wait3A_82] : memref<10000x128xf32, #tpu.memory_space<hbm>> -> memref<10000x128xf32, #tpu.memory_space<hbm>>
      tpu.wait_indirect_dma semaphore(%arg12 : memref<!tpu.dma_semaphore, #tpu.memory_space<semaphore_mem>>) src(%dma_wait3A_83 : memref<10000x128xf32, #tpu.memory_space<hbm>>) dst(%arg9 : memref<128x128xf32, #tpu.memory_space<vmem>>)
      %add3A_84 = arith.constant 1 : i32
      %add3A_85 = arith.addi %mul3A_58, %add3A_84 : i32
      "tpu.region"() ({
        %run_scoped3A = tpu.sem_alloc : memref<!tpu.dma_semaphore, #tpu.memory_space<semaphore_mem>>
        %dma_start3A_86 = arith.constant 0 : i32
        %dma_start3A_87 = tpu.memref_slice %arg7[%add3A_85, %dma_start3A_86] : memref<40x128xi32, #tpu.memory_space<vmem>> -> memref<1x128xi32, #tpu.memory_space<vmem>>
        %dma_start3A_88 = tpu.memref_squeeze %dma_start3A_87 : memref<1x128xi32, #tpu.memory_space<vmem>> -> memref<128xi32, #tpu.memory_space<vmem>>
        %dma_start3A_89 = arith.constant 0 : i32
        %dma_start3A_90 = arith.constant 0 : i32
        %dma_start3A_91 = tpu.memref_slice %arg10[%dma_start3A_89, %dma_start3A_90] : memref<10240x128xf32, #tpu.memory_space<vmem_shared>> -> memref<10240x128xf32, #tpu.memory_space<vmem_shared>>
        tpu.enqueue_indirect_dma source(%arg9 : memref<128x128xf32, #tpu.memory_space<vmem>>) target(%dma_start3A_91 : memref<10240x128xf32, #tpu.memory_space<vmem_shared>>) offsets(%dma_start3A_88 : memref<128xi32, #tpu.memory_space<vmem>>) semaphore(%run_scoped3A : memref<!tpu.dma_semaphore, #tpu.memory_space<semaphore_mem>>) {add = true}
        %dma_wait3A_92 = arith.constant 0 : i32
        %dma_wait3A_93 = tpu.memref_slice %arg7[%add3A_85, %dma_wait3A_92] : memref<40x128xi32, #tpu.memory_space<vmem>> -> memref<1x128xi32, #tpu.memory_space<vmem>>
        %dma_wait3A_94 = tpu.memref_squeeze %dma_wait3A_93 : memref<1x128xi32, #tpu.memory_space<vmem>> -> memref<128xi32, #tpu.memory_space<vmem>>
        %dma_wait3A_95 = arith.constant 0 : i32
        %dma_wait3A_96 = arith.constant 0 : i32
        %dma_wait3A_97 = tpu.memref_slice %arg10[%dma_wait3A_95, %dma_wait3A_96] : memref<10240x128xf32, #tpu.memory_space<vmem_shared>> -> memref<10240x128xf32, #tpu.memory_space<vmem_shared>>
        tpu.wait_indirect_dma semaphore(%run_scoped3A : memref<!tpu.dma_semaphore, #tpu.memory_space<semaphore_mem>>) src(%arg9 : memref<128x128xf32, #tpu.memory_space<vmem>>) dst(%dma_wait3A_97 : memref<10240x128xf32, #tpu.memory_space<vmem_shared>>)
        tpu.yield
      }) : () -> ()
    }
    %scan3A_50 = arith.constant 20 : i32
    %barrier3A_51 = arith.constant 0 : index
    tpu.barrier barrier_id(%barrier3A_51)
    %mul3A_52 = arith.constant 640 : i32
    %mul3A_53 = arith.muli %arg1, %mul3A_52 : i32
    %mul3A_54 = arith.constant 640 : i32
    %mul3A_55 = arith.muli %arg1, %mul3A_54 : i32
    "tpu.region"() ({
      %run_scoped3A = tpu.sem_alloc : memref<!tpu.dma_semaphore, #tpu.memory_space<semaphore_mem>>
      %dma_start3A_56 = arith.constant 0 : i32
      %dma_start3A_57 = tpu.memref_slice %arg5[%arg0, %mul3A_55, %dma_start3A_56] : memref<2x10240x128xf32, #tpu.memory_space<hbm>> -> memref<1x640x128xf32, #tpu.memory_space<hbm>>
      %dma_start3A_58 = tpu.memref_squeeze %dma_start3A_57 : memref<1x640x128xf32, #tpu.memory_space<hbm>> -> memref<640x128xf32, #tpu.memory_space<hbm>>
      %dma_start3A_59 = arith.constant 0 : i32
      %dma_start3A_60 = tpu.memref_slice %arg10[%mul3A_53, %dma_start3A_59] : memref<10240x128xf32, #tpu.memory_space<vmem_shared>> -> memref<640x128xf32, #tpu.memory_space<vmem_shared>>
      tpu.enqueue_dma source(%dma_start3A_60 : memref<640x128xf32, #tpu.memory_space<vmem_shared>>) target(%dma_start3A_58 : memref<640x128xf32, #tpu.memory_space<hbm>>) target_semaphore(%run_scoped3A : memref<!tpu.dma_semaphore, #tpu.memory_space<semaphore_mem>>)
      %dma_wait3A = arith.constant 0 : i32
      %dma_wait3A_61 = tpu.memref_slice %arg5[%arg0, %mul3A_55, %dma_wait3A] : memref<2x10240x128xf32, #tpu.memory_space<hbm>> -> memref<1x640x128xf32, #tpu.memory_space<hbm>>
      %dma_wait3A_62 = tpu.memref_squeeze %dma_wait3A_61 : memref<1x640x128xf32, #tpu.memory_space<hbm>> -> memref<640x128xf32, #tpu.memory_space<hbm>>
      %dma_wait3A_63 = arith.constant 0 : i32
      %dma_wait3A_64 = tpu.memref_slice %arg10[%mul3A_53, %dma_wait3A_63] : memref<10240x128xf32, #tpu.memory_space<vmem_shared>> -> memref<640x128xf32, #tpu.memory_space<vmem_shared>>
      tpu.wait_dma2 semaphore(%run_scoped3A : memref<!tpu.dma_semaphore, #tpu.memory_space<semaphore_mem>>) src(%dma_wait3A_64 : memref<640x128xf32, #tpu.memory_space<vmem_shared>>) dst(%dma_wait3A_62 : memref<640x128xf32, #tpu.memory_space<hbm>>)
      tpu.yield
    }) : () -> ()
    return
  }
}

#map = affine_map<(d0, d1) -> (0, 0)>
module attributes {stable_mosaic.version = 14 : i64} {
  func.func @deg_kernel(%arg0: i32, %arg1: i32, %arg2: memref<2560x128xi32, #tpu.memory_space<hbm>>, %arg3: memref<2x10240xf32, #tpu.memory_space<hbm>>, %arg4: memref<80x128xi32, #tpu.memory_space<vmem>>, %arg5: memref<128xf32, #tpu.memory_space<vmem>>, %arg6: memref<128xf32, #tpu.memory_space<vmem>>, %arg7: memref<10240xf32, #tpu.memory_space<vmem_shared>>, %arg8: memref<!tpu.dma_semaphore, #tpu.memory_space<semaphore_mem>>) attributes {dimension_semantics = [#tpu.dimension_semantics<core_parallel>, #tpu.dimension_semantics<subcore_parallel>], iteration_bounds = array<i64: 2, 16>, scalar_prefetch = 0 : i64, scratch_operands = 5 : i64, tpu.core_type = #tpu.core_type<sc_vector_subcore>, window_params = [{transform_indices = #map}, {transform_indices = #map}]} {
    %mul3A = arith.constant 16 : i32
    %mul3A_0 = arith.muli %arg0, %mul3A : i32
    %add3A = arith.addi %mul3A_0, %arg1 : i32
    %broadcast_in_dim3A = arith.constant 1.000000e+00 : f32
    %broadcast_in_dim3A_1 = vector.broadcast %broadcast_in_dim3A : f32 to vector<16xf32>
    %swap3A = arith.constant 0 : index
    %swap3A_2 = tpu.vector_load %arg5[%swap3A] {strides = array<i32>} : memref<128xf32, #tpu.memory_space<vmem>>, vector<16xf32>,
    %swap3A_3 = vector.shape_cast %swap3A_2 : vector<16xf32> to vector<16xf32>
    %swap3A_4 = vector.shape_cast %broadcast_in_dim3A_1 : vector<16xf32> to vector<16xf32>
    tpu.vector_store %arg5[%swap3A], %swap3A_4 {strides = array<i32>} : memref<128xf32, #tpu.memory_space<vmem>>, vector<16xf32>,
    %broadcast_in_dim3A_5 = arith.constant 0.000000e+00 : f32
    %broadcast_in_dim3A_6 = vector.broadcast %broadcast_in_dim3A_5 : f32 to vector<16xf32>
    %swap3A_7 = arith.constant 0 : index
    %swap3A_8 = tpu.vector_load %arg6[%swap3A_7] {strides = array<i32>} : memref<128xf32, #tpu.memory_space<vmem>>, vector<16xf32>,
    %swap3A_9 = vector.shape_cast %swap3A_8 : vector<16xf32> to vector<16xf32>
    %swap3A_10 = vector.shape_cast %broadcast_in_dim3A_6 : vector<16xf32> to vector<16xf32>
    tpu.vector_store %arg6[%swap3A_7], %swap3A_10 {strides = array<i32>} : memref<128xf32, #tpu.memory_space<vmem>>, vector<16xf32>,
    %broadcast_in_dim3A_11 = arith.constant 1.000000e+00 : f32
    %broadcast_in_dim3A_12 = vector.broadcast %broadcast_in_dim3A_11 : f32 to vector<16xf32>
    %swap3A_13 = arith.constant 16 : index
    %swap3A_14 = tpu.vector_load %arg5[%swap3A_13] {strides = array<i32>} : memref<128xf32, #tpu.memory_space<vmem>>, vector<16xf32>,
    %swap3A_15 = vector.shape_cast %swap3A_14 : vector<16xf32> to vector<16xf32>
    %swap3A_16 = vector.shape_cast %broadcast_in_dim3A_12 : vector<16xf32> to vector<16xf32>
    tpu.vector_store %arg5[%swap3A_13], %swap3A_16 {strides = array<i32>} : memref<128xf32, #tpu.memory_space<vmem>>, vector<16xf32>,
    %broadcast_in_dim3A_17 = arith.constant 0.000000e+00 : f32
    %broadcast_in_dim3A_18 = vector.broadcast %broadcast_in_dim3A_17 : f32 to vector<16xf32>
    %swap3A_19 = arith.constant 16 : index
    %swap3A_20 = tpu.vector_load %arg6[%swap3A_19] {strides = array<i32>} : memref<128xf32, #tpu.memory_space<vmem>>, vector<16xf32>,
    %swap3A_21 = vector.shape_cast %swap3A_20 : vector<16xf32> to vector<16xf32>
    %swap3A_22 = vector.shape_cast %broadcast_in_dim3A_18 : vector<16xf32> to vector<16xf32>
    tpu.vector_store %arg6[%swap3A_19], %swap3A_22 {strides = array<i32>} : memref<128xf32, #tpu.memory_space<vmem>>, vector<16xf32>,
    %broadcast_in_dim3A_23 = arith.constant 1.000000e+00 : f32
    %broadcast_in_dim3A_24 = vector.broadcast %broadcast_in_dim3A_23 : f32 to vector<16xf32>
    %swap3A_25 = arith.constant 32 : index
    %swap3A_26 = tpu.vector_load %arg5[%swap3A_25] {strides = array<i32>} : memref<128xf32, #tpu.memory_space<vmem>>, vector<16xf32>,
    %swap3A_27 = vector.shape_cast %swap3A_26 : vector<16xf32> to vector<16xf32>
    %swap3A_28 = vector.shape_cast %broadcast_in_dim3A_24 : vector<16xf32> to vector<16xf32>
    tpu.vector_store %arg5[%swap3A_25], %swap3A_28 {strides = array<i32>} : memref<128xf32, #tpu.memory_space<vmem>>, vector<16xf32>,
    %broadcast_in_dim3A_29 = arith.constant 0.000000e+00 : f32
    %broadcast_in_dim3A_30 = vector.broadcast %broadcast_in_dim3A_29 : f32 to vector<16xf32>
    %swap3A_31 = arith.constant 32 : index
    %swap3A_32 = tpu.vector_load %arg6[%swap3A_31] {strides = array<i32>} : memref<128xf32, #tpu.memory_space<vmem>>, vector<16xf32>,
    %swap3A_33 = vector.shape_cast %swap3A_32 : vector<16xf32> to vector<16xf32>
    %swap3A_34 = vector.shape_cast %broadcast_in_dim3A_30 : vector<16xf32> to vector<16xf32>
    tpu.vector_store %arg6[%swap3A_31], %swap3A_34 {strides = array<i32>} : memref<128xf32, #tpu.memory_space<vmem>>, vector<16xf32>,
    %broadcast_in_dim3A_35 = arith.constant 1.000000e+00 : f32
    %broadcast_in_dim3A_36 = vector.broadcast %broadcast_in_dim3A_35 : f32 to vector<16xf32>
    %swap3A_37 = arith.constant 48 : index
    %swap3A_38 = tpu.vector_load %arg5[%swap3A_37] {strides = array<i32>} : memref<128xf32, #tpu.memory_space<vmem>>, vector<16xf32>,
    %swap3A_39 = vector.shape_cast %swap3A_38 : vector<16xf32> to vector<16xf32>
    %swap3A_40 = vector.shape_cast %broadcast_in_dim3A_36 : vector<16xf32> to vector<16xf32>
    tpu.vector_store %arg5[%swap3A_37], %swap3A_40 {strides = array<i32>} : memref<128xf32, #tpu.memory_space<vmem>>, vector<16xf32>,
    %broadcast_in_dim3A_41 = arith.constant 0.000000e+00 : f32
    %broadcast_in_dim3A_42 = vector.broadcast %broadcast_in_dim3A_41 : f32 to vector<16xf32>
    %swap3A_43 = arith.constant 48 : index
    %swap3A_44 = tpu.vector_load %arg6[%swap3A_43] {strides = array<i32>} : memref<128xf32, #tpu.memory_space<vmem>>, vector<16xf32>,
    %swap3A_45 = vector.shape_cast %swap3A_44 : vector<16xf32> to vector<16xf32>
    %swap3A_46 = vector.shape_cast %broadcast_in_dim3A_42 : vector<16xf32> to vector<16xf32>
    tpu.vector_store %arg6[%swap3A_43], %swap3A_46 {strides = array<i32>} : memref<128xf32, #tpu.memory_space<vmem>>, vector<16xf32>,
    %broadcast_in_dim3A_47 = arith.constant 1.000000e+00 : f32
    %broadcast_in_dim3A_48 = vector.broadcast %broadcast_in_dim3A_47 : f32 to vector<16xf32>
    %swap3A_49 = arith.constant 64 : index
    %swap3A_50 = tpu.vector_load %arg5[%swap3A_49] {strides = array<i32>} : memref<128xf32, #tpu.memory_space<vmem>>, vector<16xf32>,
    %swap3A_51 = vector.shape_cast %swap3A_50 : vector<16xf32> to vector<16xf32>
    %swap3A_52 = vector.shape_cast %broadcast_in_dim3A_48 : vector<16xf32> to vector<16xf32>
    tpu.vector_store %arg5[%swap3A_49], %swap3A_52 {strides = array<i32>} : memref<128xf32, #tpu.memory_space<vmem>>, vector<16xf32>,
    %broadcast_in_dim3A_53 = arith.constant 0.000000e+00 : f32
    %broadcast_in_dim3A_54 = vector.broadcast %broadcast_in_dim3A_53 : f32 to vector<16xf32>
    %swap3A_55 = arith.constant 64 : index
    %swap3A_56 = tpu.vector_load %arg6[%swap3A_55] {strides = array<i32>} : memref<128xf32, #tpu.memory_space<vmem>>, vector<16xf32>,
    %swap3A_57 = vector.shape_cast %swap3A_56 : vector<16xf32> to vector<16xf32>
    %swap3A_58 = vector.shape_cast %broadcast_in_dim3A_54 : vector<16xf32> to vector<16xf32>
    tpu.vector_store %arg6[%swap3A_55], %swap3A_58 {strides = array<i32>} : memref<128xf32, #tpu.memory_space<vmem>>, vector<16xf32>,
    %broadcast_in_dim3A_59 = arith.constant 1.000000e+00 : f32
    %broadcast_in_dim3A_60 = vector.broadcast %broadcast_in_dim3A_59 : f32 to vector<16xf32>
    %swap3A_61 = arith.constant 80 : index
    %swap3A_62 = tpu.vector_load %arg5[%swap3A_61] {strides = array<i32>} : memref<128xf32, #tpu.memory_space<vmem>>, vector<16xf32>,
    %swap3A_63 = vector.shape_cast %swap3A_62 : vector<16xf32> to vector<16xf32>
    %swap3A_64 = vector.shape_cast %broadcast_in_dim3A_60 : vector<16xf32> to vector<16xf32>
    tpu.vector_store %arg5[%swap3A_61], %swap3A_64 {strides = array<i32>} : memref<128xf32, #tpu.memory_space<vmem>>, vector<16xf32>,
    %broadcast_in_dim3A_65 = arith.constant 0.000000e+00 : f32
    %broadcast_in_dim3A_66 = vector.broadcast %broadcast_in_dim3A_65 : f32 to vector<16xf32>
    %swap3A_67 = arith.constant 80 : index
    %swap3A_68 = tpu.vector_load %arg6[%swap3A_67] {strides = array<i32>} : memref<128xf32, #tpu.memory_space<vmem>>, vector<16xf32>,
    %swap3A_69 = vector.shape_cast %swap3A_68 : vector<16xf32> to vector<16xf32>
    %swap3A_70 = vector.shape_cast %broadcast_in_dim3A_66 : vector<16xf32> to vector<16xf32>
    tpu.vector_store %arg6[%swap3A_67], %swap3A_70 {strides = array<i32>} : memref<128xf32, #tpu.memory_space<vmem>>, vector<16xf32>,
    %broadcast_in_dim3A_71 = arith.constant 1.000000e+00 : f32
    %broadcast_in_dim3A_72 = vector.broadcast %broadcast_in_dim3A_71 : f32 to vector<16xf32>
    %swap3A_73 = arith.constant 96 : index
    %swap3A_74 = tpu.vector_load %arg5[%swap3A_73] {strides = array<i32>} : memref<128xf32, #tpu.memory_space<vmem>>, vector<16xf32>,
    %swap3A_75 = vector.shape_cast %swap3A_74 : vector<16xf32> to vector<16xf32>
    %swap3A_76 = vector.shape_cast %broadcast_in_dim3A_72 : vector<16xf32> to vector<16xf32>
    tpu.vector_store %arg5[%swap3A_73], %swap3A_76 {strides = array<i32>} : memref<128xf32, #tpu.memory_space<vmem>>, vector<16xf32>,
    %broadcast_in_dim3A_77 = arith.constant 0.000000e+00 : f32
    %broadcast_in_dim3A_78 = vector.broadcast %broadcast_in_dim3A_77 : f32 to vector<16xf32>
    %swap3A_79 = arith.constant 96 : index
    %swap3A_80 = tpu.vector_load %arg6[%swap3A_79] {strides = array<i32>} : memref<128xf32, #tpu.memory_space<vmem>>, vector<16xf32>,
    %swap3A_81 = vector.shape_cast %swap3A_80 : vector<16xf32> to vector<16xf32>
    %swap3A_82 = vector.shape_cast %broadcast_in_dim3A_78 : vector<16xf32> to vector<16xf32>
    tpu.vector_store %arg6[%swap3A_79], %swap3A_82 {strides = array<i32>} : memref<128xf32, #tpu.memory_space<vmem>>, vector<16xf32>,
    %broadcast_in_dim3A_83 = arith.constant 1.000000e+00 : f32
    %broadcast_in_dim3A_84 = vector.broadcast %broadcast_in_dim3A_83 : f32 to vector<16xf32>
    %swap3A_85 = arith.constant 112 : index
    %swap3A_86 = tpu.vector_load %arg5[%swap3A_85] {strides = array<i32>} : memref<128xf32, #tpu.memory_space<vmem>>, vector<16xf32>,
    %swap3A_87 = vector.shape_cast %swap3A_86 : vector<16xf32> to vector<16xf32>
    %swap3A_88 = vector.shape_cast %broadcast_in_dim3A_84 : vector<16xf32> to vector<16xf32>
    tpu.vector_store %arg5[%swap3A_85], %swap3A_88 {strides = array<i32>} : memref<128xf32, #tpu.memory_space<vmem>>, vector<16xf32>,
    %broadcast_in_dim3A_89 = arith.constant 0.000000e+00 : f32
    %broadcast_in_dim3A_90 = vector.broadcast %broadcast_in_dim3A_89 : f32 to vector<16xf32>
    %swap3A_91 = arith.constant 112 : index
    %swap3A_92 = tpu.vector_load %arg6[%swap3A_91] {strides = array<i32>} : memref<128xf32, #tpu.memory_space<vmem>>, vector<16xf32>,
    %swap3A_93 = vector.shape_cast %swap3A_92 : vector<16xf32> to vector<16xf32>
    %swap3A_94 = vector.shape_cast %broadcast_in_dim3A_90 : vector<16xf32> to vector<16xf32>
    tpu.vector_store %arg6[%swap3A_91], %swap3A_94 {strides = array<i32>} : memref<128xf32, #tpu.memory_space<vmem>>, vector<16xf32>,
    %scan3A = arith.constant 0 : i32
    %scan3A_95 = arith.constant 0 : i32
    %scan3A_96 = arith.constant 5 : i32
    %scan3A_97 = arith.addi %scan3A_95, %scan3A_96 : i32
    %scan3A_98 = arith.constant 1 : i32
    scf.for %scan3A_125 = %scan3A_95 to %scan3A_97 step %scan3A_98  : i32 {
      %mul3A_126 = arith.constant 640 : i32
      %mul3A_127 = arith.muli %arg1, %mul3A_126 : i32
      %mul3A_128 = arith.constant 128 : i32
      %mul3A_129 = arith.muli %scan3A_125, %mul3A_128 : i32
      %add3A_130 = arith.addi %mul3A_127, %mul3A_129 : i32
      %dma_start3A = tpu.memref_slice %arg7[%add3A_130] : memref<10240xf32, #tpu.memory_space<vmem_shared>> -> memref<128xf32, #tpu.memory_space<vmem_shared>>
      %dma_start3A_131 = tpu.memref_slice %arg7[%add3A_130] : memref<10240xf32, #tpu.memory_space<vmem_shared>> -> memref<128xf32, #tpu.memory_space<vmem_shared>>
      tpu.enqueue_dma source(%arg6 : memref<128xf32, #tpu.memory_space<vmem>>) target(%dma_start3A_131 : memref<128xf32, #tpu.memory_space<vmem_shared>>) target_semaphore(%arg8 : memref<!tpu.dma_semaphore, #tpu.memory_space<semaphore_mem>>)
    }
    %scan3A_99 = arith.constant 5 : i32
    %mul3A_100 = arith.constant 80 : i32
    %mul3A_101 = arith.muli %add3A, %mul3A_100 : i32
    "tpu.region"() ({
      %run_scoped3A = tpu.sem_alloc : memref<!tpu.dma_semaphore, #tpu.memory_space<semaphore_mem>>
      %dma_start3A = arith.constant 0 : i32
      %dma_start3A_125 = tpu.memref_slice %arg2[%mul3A_101, %dma_start3A] : memref<2560x128xi32, #tpu.memory_space<hbm>> -> memref<80x128xi32, #tpu.memory_space<hbm>>
      %dma_start3A_126 = arith.constant 0 : i32
      %dma_start3A_127 = tpu.memref_slice %arg2[%mul3A_101, %dma_start3A_126] : memref<2560x128xi32, #tpu.memory_space<hbm>> -> memref<80x128xi32, #tpu.memory_space<hbm>>
      tpu.enqueue_dma source(%dma_start3A_127 : memref<80x128xi32, #tpu.memory_space<hbm>>) target(%arg4 : memref<80x128xi32, #tpu.memory_space<vmem>>) target_semaphore(%run_scoped3A : memref<!tpu.dma_semaphore, #tpu.memory_space<semaphore_mem>>)
      %dma_wait3A = arith.constant 0 : i32
      %dma_wait3A_128 = tpu.memref_slice %arg2[%mul3A_101, %dma_wait3A] : memref<2560x128xi32, #tpu.memory_space<hbm>> -> memref<80x128xi32, #tpu.memory_space<hbm>>
      %dma_wait3A_129 = arith.constant 0 : i32
      %dma_wait3A_130 = tpu.memref_slice %arg2[%mul3A_101, %dma_wait3A_129] : memref<2560x128xi32, #tpu.memory_space<hbm>> -> memref<80x128xi32, #tpu.memory_space<hbm>>
      tpu.wait_dma2 semaphore(%run_scoped3A : memref<!tpu.dma_semaphore, #tpu.memory_space<semaphore_mem>>) src(%dma_wait3A_130 : memref<80x128xi32, #tpu.memory_space<hbm>>) dst(%arg4 : memref<80x128xi32, #tpu.memory_space<vmem>>)
      tpu.yield
    }) : () -> ()
    %scan3A_102 = arith.constant 0 : i32
    %scan3A_103 = arith.constant 0 : i32
    %scan3A_104 = arith.constant 5 : i32
    %scan3A_105 = arith.addi %scan3A_103, %scan3A_104 : i32
    %scan3A_106 = arith.constant 1 : i32
    scf.for %scan3A_125 = %scan3A_103 to %scan3A_105 step %scan3A_106  : i32 {
      %mul3A_126 = arith.constant 640 : i32
      %mul3A_127 = arith.muli %arg1, %mul3A_126 : i32
      %mul3A_128 = arith.constant 128 : i32
      %mul3A_129 = arith.muli %scan3A_125, %mul3A_128 : i32
      %add3A_130 = arith.addi %mul3A_127, %mul3A_129 : i32
      %dma_wait3A = tpu.memref_slice %arg7[%add3A_130] : memref<10240xf32, #tpu.memory_space<vmem_shared>> -> memref<128xf32, #tpu.memory_space<vmem_shared>>
      %dma_wait3A_131 = tpu.memref_slice %arg7[%add3A_130] : memref<10240xf32, #tpu.memory_space<vmem_shared>> -> memref<128xf32, #tpu.memory_space<vmem_shared>>
      tpu.wait_dma2 semaphore(%arg8 : memref<!tpu.dma_semaphore, #tpu.memory_space<semaphore_mem>>) src(%arg6 : memref<128xf32, #tpu.memory_space<vmem>>) dst(%dma_wait3A_131 : memref<128xf32, #tpu.memory_space<vmem_shared>>)
    }
    %scan3A_107 = arith.constant 5 : i32
    %barrier3A = arith.constant 0 : index
    tpu.barrier barrier_id(%barrier3A)
    %scan3A_108 = arith.constant 0 : i32
    %scan3A_109 = arith.constant 0 : i32
    %scan3A_110 = arith.constant 80 : i32
    %scan3A_111 = arith.addi %scan3A_109, %scan3A_110 : i32
    %scan3A_112 = arith.constant 1 : i32
    scf.for %scan3A_125 = %scan3A_109 to %scan3A_111 step %scan3A_112  : i32 {
      %dma_start3A = arith.constant 0 : i32
      %dma_start3A_126 = tpu.memref_slice %arg4[%scan3A_125, %dma_start3A] : memref<80x128xi32, #tpu.memory_space<vmem>> -> memref<1x128xi32, #tpu.memory_space<vmem>>
      %dma_start3A_127 = tpu.memref_squeeze %dma_start3A_126 : memref<1x128xi32, #tpu.memory_space<vmem>> -> memref<128xi32, #tpu.memory_space<vmem>>
      %dma_start3A_128 = arith.constant 0 : i32
      %dma_start3A_129 = tpu.memref_slice %arg7[%dma_start3A_128] : memref<10240xf32, #tpu.memory_space<vmem_shared>> -> memref<10240xf32, #tpu.memory_space<vmem_shared>>
      tpu.enqueue_indirect_dma source(%arg5 : memref<128xf32, #tpu.memory_space<vmem>>) target(%dma_start3A_129 : memref<10240xf32, #tpu.memory_space<vmem_shared>>) offsets(%dma_start3A_127 : memref<128xi32, #tpu.memory_space<vmem>>) semaphore(%arg8 : memref<!tpu.dma_semaphore, #tpu.memory_space<semaphore_mem>>) {add = true}
    }
    %scan3A_113 = arith.constant 80 : i32
    %scan3A_114 = arith.constant 0 : i32
    %scan3A_115 = arith.constant 0 : i32
    %scan3A_116 = arith.constant 80 : i32
    %scan3A_117 = arith.addi %scan3A_115, %scan3A_116 : i32
    %scan3A_118 = arith.constant 1 : i32
    scf.for %scan3A_125 = %scan3A_115 to %scan3A_117 step %scan3A_118  : i32 {
      %dma_wait3A = arith.constant 0 : i32
      %dma_wait3A_126 = tpu.memref_slice %arg4[%scan3A_125, %dma_wait3A] : memref<80x128xi32, #tpu.memory_space<vmem>> -> memref<1x128xi32, #tpu.memory_space<vmem>>
      %dma_wait3A_127 = tpu.memref_squeeze %dma_wait3A_126 : memref<1x128xi32, #tpu.memory_space<vmem>> -> memref<128xi32, #tpu.memory_space<vmem>>
      %dma_wait3A_128 = arith.constant 0 : i32
      %dma_wait3A_129 = tpu.memref_slice %arg7[%dma_wait3A_128] : memref<10240xf32, #tpu.memory_space<vmem_shared>> -> memref<10240xf32, #tpu.memory_space<vmem_shared>>
      tpu.wait_indirect_dma semaphore(%arg8 : memref<!tpu.dma_semaphore, #tpu.memory_space<semaphore_mem>>) src(%arg5 : memref<128xf32, #tpu.memory_space<vmem>>) dst(%dma_wait3A_129 : memref<10240xf32, #tpu.memory_space<vmem_shared>>)
    }
    %scan3A_119 = arith.constant 80 : i32
    %barrier3A_120 = arith.constant 0 : index
    tpu.barrier barrier_id(%barrier3A_120)
    %mul3A_121 = arith.constant 640 : i32
    %mul3A_122 = arith.muli %arg1, %mul3A_121 : i32
    %mul3A_123 = arith.constant 640 : i32
    %mul3A_124 = arith.muli %arg1, %mul3A_123 : i32
    "tpu.region"() ({
      %run_scoped3A = tpu.sem_alloc : memref<!tpu.dma_semaphore, #tpu.memory_space<semaphore_mem>>
      %dma_start3A = tpu.memref_slice %arg3[%arg0, %mul3A_124] : memref<2x10240xf32, #tpu.memory_space<hbm>> -> memref<1x640xf32, #tpu.memory_space<hbm>>
      %dma_start3A_125 = tpu.memref_squeeze %dma_start3A : memref<1x640xf32, #tpu.memory_space<hbm>> -> memref<640xf32, #tpu.memory_space<hbm>>
      %dma_start3A_126 = tpu.memref_slice %arg7[%mul3A_122] : memref<10240xf32, #tpu.memory_space<vmem_shared>> -> memref<640xf32, #tpu.memory_space<vmem_shared>>
      tpu.enqueue_dma source(%dma_start3A_126 : memref<640xf32, #tpu.memory_space<vmem_shared>>) target(%dma_start3A_125 : memref<640xf32, #tpu.memory_space<hbm>>) target_semaphore(%run_scoped3A : memref<!tpu.dma_semaphore, #tpu.memory_space<semaphore_mem>>)
      %dma_wait3A = tpu.memref_slice %arg3[%arg0, %mul3A_124] : memref<2x10240xf32, #tpu.memory_space<hbm>> -> memref<1x640xf32, #tpu.memory_space<hbm>>
      %dma_wait3A_127 = tpu.memref_squeeze %dma_wait3A : memref<1x640xf32, #tpu.memory_space<hbm>> -> memref<640xf32, #tpu.memory_space<hbm>>
      %dma_wait3A_128 = tpu.memref_slice %arg7[%mul3A_122] : memref<10240xf32, #tpu.memory_space<vmem_shared>> -> memref<640xf32, #tpu.memory_space<vmem_shared>>
      tpu.wait_dma2 semaphore(%run_scoped3A : memref<!tpu.dma_semaphore, #tpu.memory_space<semaphore_mem>>) src(%dma_wait3A_128 : memref<640xf32, #tpu.memory_space<vmem_shared>>) dst(%dma_wait3A_127 : memref<640xf32, #tpu.memory_space<hbm>>)
      tpu.yield
    }) : () -> ()
    return
  }
}

#map = affine_map<(d0, d1) -> (0, 0)>
#map1 = affine_map<(d0, d1) -> (0)>
#map2 = affine_map<(d0, d1) -> (0, 0, 0)>
module attributes {stable_mosaic.version = 14 : i64} {
  func.func @agg_kernel(%arg0: i32, %arg1: i32, %arg2: memref<10000x128xf32, #tpu.memory_space<hbm>>, %arg3: memref<327680xi32, #tpu.memory_space<hbm>>, %arg4: memref<2560x128xi32, #tpu.memory_space<hbm>>, %arg5: memref<2x10240x128xf32, #tpu.memory_space<hbm>>, %arg6: memref<5120xi32, #tpu.memory_space<vmem>>, %arg7: memref<40x128xi32, #tpu.memory_space<vmem>>, %arg8: memref<128x128xf32, #tpu.memory_space<vmem>>, %arg9: memref<128x128xf32, #tpu.memory_space<vmem>>, %arg10: memref<10240x128xf32, #tpu.memory_space<vmem_shared>>, %arg11: memref<!tpu.dma_semaphore, #tpu.memory_space<semaphore_mem>>, %arg12: memref<!tpu.dma_semaphore, #tpu.memory_space<semaphore_mem>>) attributes {dimension_semantics = [#tpu.dimension_semantics<core_parallel>, #tpu.dimension_semantics<subcore_parallel>], iteration_bounds = array<i64: 2, 16>, scalar_prefetch = 0 : i64, scratch_operands = 7 : i64, tpu.core_type = #tpu.core_type<sc_vector_subcore>, window_params = [{transform_indices = #map}, {transform_indices = #map1}, {transform_indices = #map}, {transform_indices = #map2}]} {
    %mul3A = arith.constant 16 : i32
    %mul3A_0 = arith.muli %arg0, %mul3A : i32
    %add3A = arith.addi %mul3A_0, %arg1 : i32
    %scan3A = arith.constant 0 : i32
    %scan3A_1 = arith.constant 0 : i32
    %scan3A_2 = arith.constant 128 : i32
    %scan3A_3 = arith.addi %scan3A_1, %scan3A_2 : i32
    %scan3A_4 = arith.constant 1 : i32
    scf.for %scan3A_56 = %scan3A_1 to %scan3A_3 step %scan3A_4  : i32 {
      %broadcast_in_dim3A = arith.constant 0.000000e+00 : f32
      %broadcast_in_dim3A_57 = vector.broadcast %broadcast_in_dim3A : f32 to vector<16xf32>
      %swap3A = arith.index_cast %scan3A_56 : i32 to index
      %swap3A_58 = arith.constant 0 : index
      %swap3A_59 = tpu.vector_load %arg8[%swap3A, %swap3A_58] {strides = array<i32>} : memref<128x128xf32, #tpu.memory_space<vmem>>, vector<1x16xf32>,
      %swap3A_60 = vector.shape_cast %swap3A_59 : vector<1x16xf32> to vector<16xf32>
      %swap3A_61 = vector.shape_cast %broadcast_in_dim3A_57 : vector<16xf32> to vector<1x16xf32>
      tpu.vector_store %arg8[%swap3A, %swap3A_58], %swap3A_61 {strides = array<i32>} : memref<128x128xf32, #tpu.memory_space<vmem>>, vector<1x16xf32>,
      %broadcast_in_dim3A_62 = arith.constant 0.000000e+00 : f32
      %broadcast_in_dim3A_63 = vector.broadcast %broadcast_in_dim3A_62 : f32 to vector<16xf32>
      %swap3A_64 = arith.index_cast %scan3A_56 : i32 to index
      %swap3A_65 = arith.constant 16 : index
      %swap3A_66 = tpu.vector_load %arg8[%swap3A_64, %swap3A_65] {strides = array<i32>} : memref<128x128xf32, #tpu.memory_space<vmem>>, vector<1x16xf32>,
      %swap3A_67 = vector.shape_cast %swap3A_66 : vector<1x16xf32> to vector<16xf32>
      %swap3A_68 = vector.shape_cast %broadcast_in_dim3A_63 : vector<16xf32> to vector<1x16xf32>
      tpu.vector_store %arg8[%swap3A_64, %swap3A_65], %swap3A_68 {strides = array<i32>} : memref<128x128xf32, #tpu.memory_space<vmem>>, vector<1x16xf32>,
      %broadcast_in_dim3A_69 = arith.constant 0.000000e+00 : f32
      %broadcast_in_dim3A_70 = vector.broadcast %broadcast_in_dim3A_69 : f32 to vector<16xf32>
      %swap3A_71 = arith.index_cast %scan3A_56 : i32 to index
      %swap3A_72 = arith.constant 32 : index
      %swap3A_73 = tpu.vector_load %arg8[%swap3A_71, %swap3A_72] {strides = array<i32>} : memref<128x128xf32, #tpu.memory_space<vmem>>, vector<1x16xf32>,
      %swap3A_74 = vector.shape_cast %swap3A_73 : vector<1x16xf32> to vector<16xf32>
      %swap3A_75 = vector.shape_cast %broadcast_in_dim3A_70 : vector<16xf32> to vector<1x16xf32>
      tpu.vector_store %arg8[%swap3A_71, %swap3A_72], %swap3A_75 {strides = array<i32>} : memref<128x128xf32, #tpu.memory_space<vmem>>, vector<1x16xf32>,
      %broadcast_in_dim3A_76 = arith.constant 0.000000e+00 : f32
      %broadcast_in_dim3A_77 = vector.broadcast %broadcast_in_dim3A_76 : f32 to vector<16xf32>
      %swap3A_78 = arith.index_cast %scan3A_56 : i32 to index
      %swap3A_79 = arith.constant 48 : index
      %swap3A_80 = tpu.vector_load %arg8[%swap3A_78, %swap3A_79] {strides = array<i32>} : memref<128x128xf32, #tpu.memory_space<vmem>>, vector<1x16xf32>,
      %swap3A_81 = vector.shape_cast %swap3A_80 : vector<1x16xf32> to vector<16xf32>
      %swap3A_82 = vector.shape_cast %broadcast_in_dim3A_77 : vector<16xf32> to vector<1x16xf32>
      tpu.vector_store %arg8[%swap3A_78, %swap3A_79], %swap3A_82 {strides = array<i32>} : memref<128x128xf32, #tpu.memory_space<vmem>>, vector<1x16xf32>,
      %broadcast_in_dim3A_83 = arith.constant 0.000000e+00 : f32
      %broadcast_in_dim3A_84 = vector.broadcast %broadcast_in_dim3A_83 : f32 to vector<16xf32>
      %swap3A_85 = arith.index_cast %scan3A_56 : i32 to index
      %swap3A_86 = arith.constant 64 : index
      %swap3A_87 = tpu.vector_load %arg8[%swap3A_85, %swap3A_86] {strides = array<i32>} : memref<128x128xf32, #tpu.memory_space<vmem>>, vector<1x16xf32>,
      %swap3A_88 = vector.shape_cast %swap3A_87 : vector<1x16xf32> to vector<16xf32>
      %swap3A_89 = vector.shape_cast %broadcast_in_dim3A_84 : vector<16xf32> to vector<1x16xf32>
      tpu.vector_store %arg8[%swap3A_85, %swap3A_86], %swap3A_89 {strides = array<i32>} : memref<128x128xf32, #tpu.memory_space<vmem>>, vector<1x16xf32>,
      %broadcast_in_dim3A_90 = arith.constant 0.000000e+00 : f32
      %broadcast_in_dim3A_91 = vector.broadcast %broadcast_in_dim3A_90 : f32 to vector<16xf32>
      %swap3A_92 = arith.index_cast %scan3A_56 : i32 to index
      %swap3A_93 = arith.constant 80 : index
      %swap3A_94 = tpu.vector_load %arg8[%swap3A_92, %swap3A_93] {strides = array<i32>} : memref<128x128xf32, #tpu.memory_space<vmem>>, vector<1x16xf32>,
      %swap3A_95 = vector.shape_cast %swap3A_94 : vector<1x16xf32> to vector<16xf32>
      %swap3A_96 = vector.shape_cast %broadcast_in_dim3A_91 : vector<16xf32> to vector<1x16xf32>
      tpu.vector_store %arg8[%swap3A_92, %swap3A_93], %swap3A_96 {strides = array<i32>} : memref<128x128xf32, #tpu.memory_space<vmem>>, vector<1x16xf32>,
      %broadcast_in_dim3A_97 = arith.constant 0.000000e+00 : f32
      %broadcast_in_dim3A_98 = vector.broadcast %broadcast_in_dim3A_97 : f32 to vector<16xf32>
      %swap3A_99 = arith.index_cast %scan3A_56 : i32 to index
      %swap3A_100 = arith.constant 96 : index
      %swap3A_101 = tpu.vector_load %arg8[%swap3A_99, %swap3A_100] {strides = array<i32>} : memref<128x128xf32, #tpu.memory_space<vmem>>, vector<1x16xf32>,
      %swap3A_102 = vector.shape_cast %swap3A_101 : vector<1x16xf32> to vector<16xf32>
      %swap3A_103 = vector.shape_cast %broadcast_in_dim3A_98 : vector<16xf32> to vector<1x16xf32>
      tpu.vector_store %arg8[%swap3A_99, %swap3A_100], %swap3A_103 {strides = array<i32>} : memref<128x128xf32, #tpu.memory_space<vmem>>, vector<1x16xf32>,
      %broadcast_in_dim3A_104 = arith.constant 0.000000e+00 : f32
      %broadcast_in_dim3A_105 = vector.broadcast %broadcast_in_dim3A_104 : f32 to vector<16xf32>
      %swap3A_106 = arith.index_cast %scan3A_56 : i32 to index
      %swap3A_107 = arith.constant 112 : index
      %swap3A_108 = tpu.vector_load %arg8[%swap3A_106, %swap3A_107] {strides = array<i32>} : memref<128x128xf32, #tpu.memory_space<vmem>>, vector<1x16xf32>,
      %swap3A_109 = vector.shape_cast %swap3A_108 : vector<1x16xf32> to vector<16xf32>
      %swap3A_110 = vector.shape_cast %broadcast_in_dim3A_105 : vector<16xf32> to vector<1x16xf32>
      tpu.vector_store %arg8[%swap3A_106, %swap3A_107], %swap3A_110 {strides = array<i32>} : memref<128x128xf32, #tpu.memory_space<vmem>>, vector<1x16xf32>,
    }
    %scan3A_5 = arith.constant 128 : i32
    %scan3A_6 = arith.constant 0 : i32
    %scan3A_7 = arith.constant 0 : i32
    %scan3A_8 = arith.constant 5 : i32
    %scan3A_9 = arith.addi %scan3A_7, %scan3A_8 : i32
    %scan3A_10 = arith.constant 1 : i32
    scf.for %scan3A_56 = %scan3A_7 to %scan3A_9 step %scan3A_10  : i32 {
      %mul3A_57 = arith.constant 640 : i32
      %mul3A_58 = arith.muli %arg1, %mul3A_57 : i32
      %mul3A_59 = arith.constant 128 : i32
      %mul3A_60 = arith.muli %scan3A_56, %mul3A_59 : i32
      %add3A_61 = arith.addi %mul3A_58, %mul3A_60 : i32
      %dma_start3A_62 = arith.constant 0 : i32
      %dma_start3A_63 = tpu.memref_slice %arg10[%add3A_61, %dma_start3A_62] : memref<10240x128xf32, #tpu.memory_space<vmem_shared>> -> memref<128x128xf32, #tpu.memory_space<vmem_shared>>
      %dma_start3A_64 = arith.constant 0 : i32
      %dma_start3A_65 = tpu.memref_slice %arg10[%add3A_61, %dma_start3A_64] : memref<10240x128xf32, #tpu.memory_space<vmem_shared>> -> memref<128x128xf32, #tpu.memory_space<vmem_shared>>
      tpu.enqueue_dma source(%arg8 : memref<128x128xf32, #tpu.memory_space<vmem>>) target(%dma_start3A_65 : memref<128x128xf32, #tpu.memory_space<vmem_shared>>) target_semaphore(%arg11 : memref<!tpu.dma_semaphore, #tpu.memory_space<semaphore_mem>>)
    }
    %scan3A_11 = arith.constant 5 : i32
    %mul3A_12 = arith.constant 10240 : i32
    %mul3A_13 = arith.muli %add3A, %mul3A_12 : i32
    "tpu.region"() ({
      %run_scoped3A = tpu.sem_alloc : memref<!tpu.dma_semaphore, #tpu.memory_space<semaphore_mem>>
      %dma_start3A_56 = tpu.memref_slice %arg3[%mul3A_13] : memref<327680xi32, #tpu.memory_space<hbm>> -> memref<5120xi32, #tpu.memory_space<hbm>>
      %dma_start3A_57 = tpu.memref_slice %arg3[%mul3A_13] : memref<327680xi32, #tpu.memory_space<hbm>> -> memref<5120xi32, #tpu.memory_space<hbm>>
      tpu.enqueue_dma source(%dma_start3A_57 : memref<5120xi32, #tpu.memory_space<hbm>>) target(%arg6 : memref<5120xi32, #tpu.memory_space<vmem>>) target_semaphore(%run_scoped3A : memref<!tpu.dma_semaphore, #tpu.memory_space<semaphore_mem>>)
      %dma_wait3A = tpu.memref_slice %arg3[%mul3A_13] : memref<327680xi32, #tpu.memory_space<hbm>> -> memref<5120xi32, #tpu.memory_space<hbm>>
      %dma_wait3A_58 = tpu.memref_slice %arg3[%mul3A_13] : memref<327680xi32, #tpu.memory_space<hbm>> -> memref<5120xi32, #tpu.memory_space<hbm>>
      tpu.wait_dma2 semaphore(%run_scoped3A : memref<!tpu.dma_semaphore, #tpu.memory_space<semaphore_mem>>) src(%dma_wait3A_58 : memref<5120xi32, #tpu.memory_space<hbm>>) dst(%arg6 : memref<5120xi32, #tpu.memory_space<vmem>>)
      tpu.yield
    }) : () -> ()
    %mul3A_14 = arith.constant 80 : i32
    %mul3A_15 = arith.muli %add3A, %mul3A_14 : i32
    "tpu.region"() ({
      %run_scoped3A = tpu.sem_alloc : memref<!tpu.dma_semaphore, #tpu.memory_space<semaphore_mem>>
      %dma_start3A_56 = arith.constant 0 : i32
      %dma_start3A_57 = tpu.memref_slice %arg4[%mul3A_15, %dma_start3A_56] : memref<2560x128xi32, #tpu.memory_space<hbm>> -> memref<40x128xi32, #tpu.memory_space<hbm>>
      %dma_start3A_58 = arith.constant 0 : i32
      %dma_start3A_59 = tpu.memref_slice %arg4[%mul3A_15, %dma_start3A_58] : memref<2560x128xi32, #tpu.memory_space<hbm>> -> memref<40x128xi32, #tpu.memory_space<hbm>>
      tpu.enqueue_dma source(%dma_start3A_59 : memref<40x128xi32, #tpu.memory_space<hbm>>) target(%arg7 : memref<40x128xi32, #tpu.memory_space<vmem>>) target_semaphore(%run_scoped3A : memref<!tpu.dma_semaphore, #tpu.memory_space<semaphore_mem>>)
      %dma_wait3A = arith.constant 0 : i32
      %dma_wait3A_60 = tpu.memref_slice %arg4[%mul3A_15, %dma_wait3A] : memref<2560x128xi32, #tpu.memory_space<hbm>> -> memref<40x128xi32, #tpu.memory_space<hbm>>
      %dma_wait3A_61 = arith.constant 0 : i32
      %dma_wait3A_62 = tpu.memref_slice %arg4[%mul3A_15, %dma_wait3A_61] : memref<2560x128xi32, #tpu.memory_space<hbm>> -> memref<40x128xi32, #tpu.memory_space<hbm>>
      tpu.wait_dma2 semaphore(%run_scoped3A : memref<!tpu.dma_semaphore, #tpu.memory_space<semaphore_mem>>) src(%dma_wait3A_62 : memref<40x128xi32, #tpu.memory_space<hbm>>) dst(%arg7 : memref<40x128xi32, #tpu.memory_space<vmem>>)
      tpu.yield
    }) : () -> ()
    %scan3A_16 = arith.constant 0 : i32
    %scan3A_17 = arith.constant 0 : i32
    %scan3A_18 = arith.constant 5 : i32
    %scan3A_19 = arith.addi %scan3A_17, %scan3A_18 : i32
    %scan3A_20 = arith.constant 1 : i32
    scf.for %scan3A_56 = %scan3A_17 to %scan3A_19 step %scan3A_20  : i32 {
      %mul3A_57 = arith.constant 640 : i32
      %mul3A_58 = arith.muli %arg1, %mul3A_57 : i32
      %mul3A_59 = arith.constant 128 : i32
      %mul3A_60 = arith.muli %scan3A_56, %mul3A_59 : i32
      %add3A_61 = arith.addi %mul3A_58, %mul3A_60 : i32
      %dma_wait3A = arith.constant 0 : i32
      %dma_wait3A_62 = tpu.memref_slice %arg10[%add3A_61, %dma_wait3A] : memref<10240x128xf32, #tpu.memory_space<vmem_shared>> -> memref<128x128xf32, #tpu.memory_space<vmem_shared>>
      %dma_wait3A_63 = arith.constant 0 : i32
      %dma_wait3A_64 = tpu.memref_slice %arg10[%add3A_61, %dma_wait3A_63] : memref<10240x128xf32, #tpu.memory_space<vmem_shared>> -> memref<128x128xf32, #tpu.memory_space<vmem_shared>>
      tpu.wait_dma2 semaphore(%arg11 : memref<!tpu.dma_semaphore, #tpu.memory_space<semaphore_mem>>) src(%arg8 : memref<128x128xf32, #tpu.memory_space<vmem>>) dst(%dma_wait3A_64 : memref<128x128xf32, #tpu.memory_space<vmem_shared>>)
    }
    %scan3A_21 = arith.constant 5 : i32
    %barrier3A = arith.constant 0 : index
    tpu.barrier barrier_id(%barrier3A)
    %dma_start3A = arith.constant 0 : i32
    %dma_start3A_22 = tpu.memref_slice %arg6[%dma_start3A] : memref<5120xi32, #tpu.memory_space<vmem>> -> memref<128xi32, #tpu.memory_space<vmem>>
    %dma_start3A_23 = arith.constant 0 : i32
    %dma_start3A_24 = arith.constant 0 : i32
    %dma_start3A_25 = tpu.memref_slice %arg2[%dma_start3A_23, %dma_start3A_24] : memref<10000x128xf32, #tpu.memory_space<hbm>> -> memref<10000x128xf32, #tpu.memory_space<hbm>>
    tpu.enqueue_indirect_dma source(%dma_start3A_25 : memref<10000x128xf32, #tpu.memory_space<hbm>>) target(%arg8 : memref<128x128xf32, #tpu.memory_space<vmem>>) offsets(%dma_start3A_22 : memref<128xi32, #tpu.memory_space<vmem>>) semaphore(%arg11 : memref<!tpu.dma_semaphore, #tpu.memory_space<semaphore_mem>>)
    %scan3A_26 = arith.constant 0 : i32
    %scan3A_27 = arith.constant 0 : i32
    %scan3A_28 = arith.constant 20 : i32
    %scan3A_29 = arith.addi %scan3A_27, %scan3A_28 : i32
    %scan3A_30 = arith.constant 1 : i32
    scf.for %scan3A_56 = %scan3A_27 to %scan3A_29 step %scan3A_30  : i32 {
      %mul3A_57 = arith.constant 2 : i32
      %mul3A_58 = arith.muli %mul3A_57, %scan3A_56 : i32
      %add3A_59 = arith.constant 1 : i32
      %add3A_60 = arith.addi %mul3A_58, %add3A_59 : i32
      %mul3A_61 = arith.constant 128 : i32
      %mul3A_62 = arith.muli %add3A_60, %mul3A_61 : i32
      %dma_start3A_63 = tpu.memref_slice %arg6[%mul3A_62] : memref<5120xi32, #tpu.memory_space<vmem>> -> memref<128xi32, #tpu.memory_space<vmem>>
      %dma_start3A_64 = arith.constant 0 : i32
      %dma_start3A_65 = arith.constant 0 : i32
      %dma_start3A_66 = tpu.memref_slice %arg2[%dma_start3A_64, %dma_start3A_65] : memref<10000x128xf32, #tpu.memory_space<hbm>> -> memref<10000x128xf32, #tpu.memory_space<hbm>>
      tpu.enqueue_indirect_dma source(%dma_start3A_66 : memref<10000x128xf32, #tpu.memory_space<hbm>>) target(%arg9 : memref<128x128xf32, #tpu.memory_space<vmem>>) offsets(%dma_start3A_63 : memref<128xi32, #tpu.memory_space<vmem>>) semaphore(%arg12 : memref<!tpu.dma_semaphore, #tpu.memory_space<semaphore_mem>>)
      %mul3A_67 = arith.constant 128 : i32
      %mul3A_68 = arith.muli %mul3A_58, %mul3A_67 : i32
      %dma_wait3A = tpu.memref_slice %arg6[%mul3A_68] : memref<5120xi32, #tpu.memory_space<vmem>> -> memref<128xi32, #tpu.memory_space<vmem>>
      %dma_wait3A_69 = arith.constant 0 : i32
      %dma_wait3A_70 = arith.constant 0 : i32
      %dma_wait3A_71 = tpu.memref_slice %arg2[%dma_wait3A_69, %dma_wait3A_70] : memref<10000x128xf32, #tpu.memory_space<hbm>> -> memref<10000x128xf32, #tpu.memory_space<hbm>>
      tpu.wait_indirect_dma semaphore(%arg11 : memref<!tpu.dma_semaphore, #tpu.memory_space<semaphore_mem>>) src(%dma_wait3A_71 : memref<10000x128xf32, #tpu.memory_space<hbm>>) dst(%arg8 : memref<128x128xf32, #tpu.memory_space<vmem>>)
      "tpu.region"() ({
        %run_scoped3A = tpu.sem_alloc : memref<!tpu.dma_semaphore, #tpu.memory_space<semaphore_mem>>
        %dma_start3A_86 = arith.constant 0 : i32
        %dma_start3A_87 = tpu.memref_slice %arg7[%mul3A_58, %dma_start3A_86] : memref<40x128xi32, #tpu.memory_space<vmem>> -> memref<1x128xi32, #tpu.memory_space<vmem>>
        %dma_start3A_88 = tpu.memref_squeeze %dma_start3A_87 : memref<1x128xi32, #tpu.memory_space<vmem>> -> memref<128xi32, #tpu.memory_space<vmem>>
        %dma_start3A_89 = arith.constant 0 : i32
        %dma_start3A_90 = arith.constant 0 : i32
        %dma_start3A_91 = tpu.memref_slice %arg10[%dma_start3A_89, %dma_start3A_90] : memref<10240x128xf32, #tpu.memory_space<vmem_shared>> -> memref<10240x128xf32, #tpu.memory_space<vmem_shared>>
        tpu.enqueue_indirect_dma source(%arg8 : memref<128x128xf32, #tpu.memory_space<vmem>>) target(%dma_start3A_91 : memref<10240x128xf32, #tpu.memory_space<vmem_shared>>) offsets(%dma_start3A_88 : memref<128xi32, #tpu.memory_space<vmem>>) semaphore(%run_scoped3A : memref<!tpu.dma_semaphore, #tpu.memory_space<semaphore_mem>>) {add = true}
        %dma_wait3A_92 = arith.constant 0 : i32
        %dma_wait3A_93 = tpu.memref_slice %arg7[%mul3A_58, %dma_wait3A_92] : memref<40x128xi32, #tpu.memory_space<vmem>> -> memref<1x128xi32, #tpu.memory_space<vmem>>
        %dma_wait3A_94 = tpu.memref_squeeze %dma_wait3A_93 : memref<1x128xi32, #tpu.memory_space<vmem>> -> memref<128xi32, #tpu.memory_space<vmem>>
        %dma_wait3A_95 = arith.constant 0 : i32
        %dma_wait3A_96 = arith.constant 0 : i32
        %dma_wait3A_97 = tpu.memref_slice %arg10[%dma_wait3A_95, %dma_wait3A_96] : memref<10240x128xf32, #tpu.memory_space<vmem_shared>> -> memref<10240x128xf32, #tpu.memory_space<vmem_shared>>
        tpu.wait_indirect_dma semaphore(%run_scoped3A : memref<!tpu.dma_semaphore, #tpu.memory_space<semaphore_mem>>) src(%arg8 : memref<128x128xf32, #tpu.memory_space<vmem>>) dst(%dma_wait3A_97 : memref<10240x128xf32, #tpu.memory_space<vmem_shared>>)
        tpu.yield
      }) : () -> ()
      %add3A_72 = arith.constant 1 : i32
      %add3A_73 = arith.addi %scan3A_56, %add3A_72 : i32
      %lt3A = arith.constant 20 : i32
      %lt3A_74 = arith.cmpi slt, %add3A_73, %lt3A : i32
      %convert_element_type3A = arith.extui %lt3A_74 : i1 to i32
      %cond3A = arith.constant 0 : i32
      %cond3A_75 = arith.cmpi ne, %convert_element_type3A, %cond3A : i32
      scf.if %cond3A_75 {
        %add3A_86 = arith.constant 2 : i32
        %add3A_87 = arith.addi %mul3A_58, %add3A_86 : i32
        %mul3A_88 = arith.constant 128 : i32
        %mul3A_89 = arith.muli %add3A_87, %mul3A_88 : i32
        %dma_start3A_90 = tpu.memref_slice %arg6[%mul3A_89] : memref<5120xi32, #tpu.memory_space<vmem>> -> memref<128xi32, #tpu.memory_space<vmem>>
        %dma_start3A_91 = arith.constant 0 : i32
        %dma_start3A_92 = arith.constant 0 : i32
        %dma_start3A_93 = tpu.memref_slice %arg2[%dma_start3A_91, %dma_start3A_92] : memref<10000x128xf32, #tpu.memory_space<hbm>> -> memref<10000x128xf32, #tpu.memory_space<hbm>>
        tpu.enqueue_indirect_dma source(%dma_start3A_93 : memref<10000x128xf32, #tpu.memory_space<hbm>>) target(%arg8 : memref<128x128xf32, #tpu.memory_space<vmem>>) offsets(%dma_start3A_90 : memref<128xi32, #tpu.memory_space<vmem>>) semaphore(%arg11 : memref<!tpu.dma_semaphore, #tpu.memory_space<semaphore_mem>>)
      } else {
      }
      %add3A_76 = arith.constant 1 : i32
      %add3A_77 = arith.addi %mul3A_58, %add3A_76 : i32
      %mul3A_78 = arith.constant 128 : i32
      %mul3A_79 = arith.muli %add3A_77, %mul3A_78 : i32
      %dma_wait3A_80 = tpu.memref_slice %arg6[%mul3A_79] : memref<5120xi32, #tpu.memory_space<vmem>> -> memref<128xi32, #tpu.memory_space<vmem>>
      %dma_wait3A_81 = arith.constant 0 : i32
      %dma_wait3A_82 = arith.constant 0 : i32
      %dma_wait3A_83 = tpu.memref_slice %arg2[%dma_wait3A_81, %dma_wait3A_82] : memref<10000x128xf32, #tpu.memory_space<hbm>> -> memref<10000x128xf32, #tpu.memory_space<hbm>>
      tpu.wait_indirect_dma semaphore(%arg12 : memref<!tpu.dma_semaphore, #tpu.memory_space<semaphore_mem>>) src(%dma_wait3A_83 : memref<10000x128xf32, #tpu.memory_space<hbm>>) dst(%arg9 : memref<128x128xf32, #tpu.memory_space<vmem>>)
      %add3A_84 = arith.constant 1 : i32
      %add3A_85 = arith.addi %mul3A_58, %add3A_84 : i32
      "tpu.region"() ({
        %run_scoped3A = tpu.sem_alloc : memref<!tpu.dma_semaphore, #tpu.memory_space<semaphore_mem>>
        %dma_start3A_86 = arith.constant 0 : i32
        %dma_start3A_87 = tpu.memref_slice %arg7[%add3A_85, %dma_start3A_86] : memref<40x128xi32, #tpu.memory_space<vmem>> -> memref<1x128xi32, #tpu.memory_space<vmem>>
        %dma_start3A_88 = tpu.memref_squeeze %dma_start3A_87 : memref<1x128xi32, #tpu.memory_space<vmem>> -> memref<128xi32, #tpu.memory_space<vmem>>
        %dma_start3A_89 = arith.constant 0 : i32
        %dma_start3A_90 = arith.constant 0 : i32
        %dma_start3A_91 = tpu.memref_slice %arg10[%dma_start3A_89, %dma_start3A_90] : memref<10240x128xf32, #tpu.memory_space<vmem_shared>> -> memref<10240x128xf32, #tpu.memory_space<vmem_shared>>
        tpu.enqueue_indirect_dma source(%arg9 : memref<128x128xf32, #tpu.memory_space<vmem>>) target(%dma_start3A_91 : memref<10240x128xf32, #tpu.memory_space<vmem_shared>>) offsets(%dma_start3A_88 : memref<128xi32, #tpu.memory_space<vmem>>) semaphore(%run_scoped3A : memref<!tpu.dma_semaphore, #tpu.memory_space<semaphore_mem>>) {add = true}
        %dma_wait3A_92 = arith.constant 0 : i32
        %dma_wait3A_93 = tpu.memref_slice %arg7[%add3A_85, %dma_wait3A_92] : memref<40x128xi32, #tpu.memory_space<vmem>> -> memref<1x128xi32, #tpu.memory_space<vmem>>
        %dma_wait3A_94 = tpu.memref_squeeze %dma_wait3A_93 : memref<1x128xi32, #tpu.memory_space<vmem>> -> memref<128xi32, #tpu.memory_space<vmem>>
        %dma_wait3A_95 = arith.constant 0 : i32
        %dma_wait3A_96 = arith.constant 0 : i32
        %dma_wait3A_97 = tpu.memref_slice %arg10[%dma_wait3A_95, %dma_wait3A_96] : memref<10240x128xf32, #tpu.memory_space<vmem_shared>> -> memref<10240x128xf32, #tpu.memory_space<vmem_shared>>
        tpu.wait_indirect_dma semaphore(%run_scoped3A : memref<!tpu.dma_semaphore, #tpu.memory_space<semaphore_mem>>) src(%arg9 : memref<128x128xf32, #tpu.memory_space<vmem>>) dst(%dma_wait3A_97 : memref<10240x128xf32, #tpu.memory_space<vmem_shared>>)
        tpu.yield
      }) : () -> ()
    }
    %scan3A_31 = arith.constant 20 : i32
    %mul3A_32 = arith.constant 10240 : i32
    %mul3A_33 = arith.muli %add3A, %mul3A_32 : i32
    %add3A_34 = arith.constant 5120 : i32
    %add3A_35 = arith.addi %mul3A_33, %add3A_34 : i32
    "tpu.region"() ({
      %run_scoped3A = tpu.sem_alloc : memref<!tpu.dma_semaphore, #tpu.memory_space<semaphore_mem>>
      %dma_start3A_56 = tpu.memref_slice %arg3[%add3A_35] : memref<327680xi32, #tpu.memory_space<hbm>> -> memref<5120xi32, #tpu.memory_space<hbm>>
      %dma_start3A_57 = tpu.memref_slice %arg3[%add3A_35] : memref<327680xi32, #tpu.memory_space<hbm>> -> memref<5120xi32, #tpu.memory_space<hbm>>
      tpu.enqueue_dma source(%dma_start3A_57 : memref<5120xi32, #tpu.memory_space<hbm>>) target(%arg6 : memref<5120xi32, #tpu.memory_space<vmem>>) target_semaphore(%run_scoped3A : memref<!tpu.dma_semaphore, #tpu.memory_space<semaphore_mem>>)
      %dma_wait3A = tpu.memref_slice %arg3[%add3A_35] : memref<327680xi32, #tpu.memory_space<hbm>> -> memref<5120xi32, #tpu.memory_space<hbm>>
      %dma_wait3A_58 = tpu.memref_slice %arg3[%add3A_35] : memref<327680xi32, #tpu.memory_space<hbm>> -> memref<5120xi32, #tpu.memory_space<hbm>>
      tpu.wait_dma2 semaphore(%run_scoped3A : memref<!tpu.dma_semaphore, #tpu.memory_space<semaphore_mem>>) src(%dma_wait3A_58 : memref<5120xi32, #tpu.memory_space<hbm>>) dst(%arg6 : memref<5120xi32, #tpu.memory_space<vmem>>)
      tpu.yield
    }) : () -> ()
    %mul3A_36 = arith.constant 80 : i32
    %mul3A_37 = arith.muli %add3A, %mul3A_36 : i32
    %add3A_38 = arith.constant 40 : i32
    %add3A_39 = arith.addi %mul3A_37, %add3A_38 : i32
    "tpu.region"() ({
      %run_scoped3A = tpu.sem_alloc : memref<!tpu.dma_semaphore, #tpu.memory_space<semaphore_mem>>
      %dma_start3A_56 = arith.constant 0 : i32
      %dma_start3A_57 = tpu.memref_slice %arg4[%add3A_39, %dma_start3A_56] : memref<2560x128xi32, #tpu.memory_space<hbm>> -> memref<40x128xi32, #tpu.memory_space<hbm>>
      %dma_start3A_58 = arith.constant 0 : i32
      %dma_start3A_59 = tpu.memref_slice %arg4[%add3A_39, %dma_start3A_58] : memref<2560x128xi32, #tpu.memory_space<hbm>> -> memref<40x128xi32, #tpu.memory_space<hbm>>
      tpu.enqueue_dma source(%dma_start3A_59 : memref<40x128xi32, #tpu.memory_space<hbm>>) target(%arg7 : memref<40x128xi32, #tpu.memory_space<vmem>>) target_semaphore(%run_scoped3A : memref<!tpu.dma_semaphore, #tpu.memory_space<semaphore_mem>>)
      %dma_wait3A = arith.constant 0 : i32
      %dma_wait3A_60 = tpu.memref_slice %arg4[%add3A_39, %dma_wait3A] : memref<2560x128xi32, #tpu.memory_space<hbm>> -> memref<40x128xi32, #tpu.memory_space<hbm>>
      %dma_wait3A_61 = arith.constant 0 : i32
      %dma_wait3A_62 = tpu.memref_slice %arg4[%add3A_39, %dma_wait3A_61] : memref<2560x128xi32, #tpu.memory_space<hbm>> -> memref<40x128xi32, #tpu.memory_space<hbm>>
      tpu.wait_dma2 semaphore(%run_scoped3A : memref<!tpu.dma_semaphore, #tpu.memory_space<semaphore_mem>>) src(%dma_wait3A_62 : memref<40x128xi32, #tpu.memory_space<hbm>>) dst(%arg7 : memref<40x128xi32, #tpu.memory_space<vmem>>)
      tpu.yield
    }) : () -> ()
    %dma_start3A_40 = arith.constant 0 : i32
    %dma_start3A_41 = tpu.memref_slice %arg6[%dma_start3A_40] : memref<5120xi32, #tpu.memory_space<vmem>> -> memref<128xi32, #tpu.memory_space<vmem>>
    %dma_start3A_42 = arith.constant 0 : i32
    %dma_start3A_43 = arith.constant 0 : i32
    %dma_start3A_44 = tpu.memref_slice %arg2[%dma_start3A_42, %dma_start3A_43] : memref<10000x128xf32, #tpu.memory_space<hbm>> -> memref<10000x128xf32, #tpu.memory_space<hbm>>
    tpu.enqueue_indirect_dma source(%dma_start3A_44 : memref<10000x128xf32, #tpu.memory_space<hbm>>) target(%arg8 : memref<128x128xf32, #tpu.memory_space<vmem>>) offsets(%dma_start3A_41 : memref<128xi32, #tpu.memory_space<vmem>>) semaphore(%arg11 : memref<!tpu.dma_semaphore, #tpu.memory_space<semaphore_mem>>)
    %scan3A_45 = arith.constant 0 : i32
    %scan3A_46 = arith.constant 0 : i32
    %scan3A_47 = arith.constant 20 : i32
    %scan3A_48 = arith.addi %scan3A_46, %scan3A_47 : i32
    %scan3A_49 = arith.constant 1 : i32
    scf.for %scan3A_56 = %scan3A_46 to %scan3A_48 step %scan3A_49  : i32 {
      %mul3A_57 = arith.constant 2 : i32
      %mul3A_58 = arith.muli %mul3A_57, %scan3A_56 : i32
      %add3A_59 = arith.constant 1 : i32
      %add3A_60 = arith.addi %mul3A_58, %add3A_59 : i32
      %mul3A_61 = arith.constant 128 : i32
      %mul3A_62 = arith.muli %add3A_60, %mul3A_61 : i32
      %dma_start3A_63 = tpu.memref_slice %arg6[%mul3A_62] : memref<5120xi32, #tpu.memory_space<vmem>> -> memref<128xi32, #tpu.memory_space<vmem>>
      %dma_start3A_64 = arith.constant 0 : i32
      %dma_start3A_65 = arith.constant 0 : i32
      %dma_start3A_66 = tpu.memref_slice %arg2[%dma_start3A_64, %dma_start3A_65] : memref<10000x128xf32, #tpu.memory_space<hbm>> -> memref<10000x128xf32, #tpu.memory_space<hbm>>
      tpu.enqueue_indirect_dma source(%dma_start3A_66 : memref<10000x128xf32, #tpu.memory_space<hbm>>) target(%arg9 : memref<128x128xf32, #tpu.memory_space<vmem>>) offsets(%dma_start3A_63 : memref<128xi32, #tpu.memory_space<vmem>>) semaphore(%arg12 : memref<!tpu.dma_semaphore, #tpu.memory_space<semaphore_mem>>)
      %mul3A_67 = arith.constant 128 : i32
      %mul3A_68 = arith.muli %mul3A_58, %mul3A_67 : i32
      %dma_wait3A = tpu.memref_slice %arg6[%mul3A_68] : memref<5120xi32, #tpu.memory_space<vmem>> -> memref<128xi32, #tpu.memory_space<vmem>>
      %dma_wait3A_69 = arith.constant 0 : i32
      %dma_wait3A_70 = arith.constant 0 : i32
      %dma_wait3A_71 = tpu.memref_slice %arg2[%dma_wait3A_69, %dma_wait3A_70] : memref<10000x128xf32, #tpu.memory_space<hbm>> -> memref<10000x128xf32, #tpu.memory_space<hbm>>
      tpu.wait_indirect_dma semaphore(%arg11 : memref<!tpu.dma_semaphore, #tpu.memory_space<semaphore_mem>>) src(%dma_wait3A_71 : memref<10000x128xf32, #tpu.memory_space<hbm>>) dst(%arg8 : memref<128x128xf32, #tpu.memory_space<vmem>>)
      "tpu.region"() ({
        %run_scoped3A = tpu.sem_alloc : memref<!tpu.dma_semaphore, #tpu.memory_space<semaphore_mem>>
        %dma_start3A_86 = arith.constant 0 : i32
        %dma_start3A_87 = tpu.memref_slice %arg7[%mul3A_58, %dma_start3A_86] : memref<40x128xi32, #tpu.memory_space<vmem>> -> memref<1x128xi32, #tpu.memory_space<vmem>>
        %dma_start3A_88 = tpu.memref_squeeze %dma_start3A_87 : memref<1x128xi32, #tpu.memory_space<vmem>> -> memref<128xi32, #tpu.memory_space<vmem>>
        %dma_start3A_89 = arith.constant 0 : i32
        %dma_start3A_90 = arith.constant 0 : i32
        %dma_start3A_91 = tpu.memref_slice %arg10[%dma_start3A_89, %dma_start3A_90] : memref<10240x128xf32, #tpu.memory_space<vmem_shared>> -> memref<10240x128xf32, #tpu.memory_space<vmem_shared>>
        tpu.enqueue_indirect_dma source(%arg8 : memref<128x128xf32, #tpu.memory_space<vmem>>) target(%dma_start3A_91 : memref<10240x128xf32, #tpu.memory_space<vmem_shared>>) offsets(%dma_start3A_88 : memref<128xi32, #tpu.memory_space<vmem>>) semaphore(%run_scoped3A : memref<!tpu.dma_semaphore, #tpu.memory_space<semaphore_mem>>) {add = true}
        %dma_wait3A_92 = arith.constant 0 : i32
        %dma_wait3A_93 = tpu.memref_slice %arg7[%mul3A_58, %dma_wait3A_92] : memref<40x128xi32, #tpu.memory_space<vmem>> -> memref<1x128xi32, #tpu.memory_space<vmem>>
        %dma_wait3A_94 = tpu.memref_squeeze %dma_wait3A_93 : memref<1x128xi32, #tpu.memory_space<vmem>> -> memref<128xi32, #tpu.memory_space<vmem>>
        %dma_wait3A_95 = arith.constant 0 : i32
        %dma_wait3A_96 = arith.constant 0 : i32
        %dma_wait3A_97 = tpu.memref_slice %arg10[%dma_wait3A_95, %dma_wait3A_96] : memref<10240x128xf32, #tpu.memory_space<vmem_shared>> -> memref<10240x128xf32, #tpu.memory_space<vmem_shared>>
        tpu.wait_indirect_dma semaphore(%run_scoped3A : memref<!tpu.dma_semaphore, #tpu.memory_space<semaphore_mem>>) src(%arg8 : memref<128x128xf32, #tpu.memory_space<vmem>>) dst(%dma_wait3A_97 : memref<10240x128xf32, #tpu.memory_space<vmem_shared>>)
        tpu.yield
      }) : () -> ()
      %add3A_72 = arith.constant 1 : i32
      %add3A_73 = arith.addi %scan3A_56, %add3A_72 : i32
      %lt3A = arith.constant 20 : i32
      %lt3A_74 = arith.cmpi slt, %add3A_73, %lt3A : i32
      %convert_element_type3A = arith.extui %lt3A_74 : i1 to i32
      %cond3A = arith.constant 0 : i32
      %cond3A_75 = arith.cmpi ne, %convert_element_type3A, %cond3A : i32
      scf.if %cond3A_75 {
        %add3A_86 = arith.constant 2 : i32
        %add3A_87 = arith.addi %mul3A_58, %add3A_86 : i32
        %mul3A_88 = arith.constant 128 : i32
        %mul3A_89 = arith.muli %add3A_87, %mul3A_88 : i32
        %dma_start3A_90 = tpu.memref_slice %arg6[%mul3A_89] : memref<5120xi32, #tpu.memory_space<vmem>> -> memref<128xi32, #tpu.memory_space<vmem>>
        %dma_start3A_91 = arith.constant 0 : i32
        %dma_start3A_92 = arith.constant 0 : i32
        %dma_start3A_93 = tpu.memref_slice %arg2[%dma_start3A_91, %dma_start3A_92] : memref<10000x128xf32, #tpu.memory_space<hbm>> -> memref<10000x128xf32, #tpu.memory_space<hbm>>
        tpu.enqueue_indirect_dma source(%dma_start3A_93 : memref<10000x128xf32, #tpu.memory_space<hbm>>) target(%arg8 : memref<128x128xf32, #tpu.memory_space<vmem>>) offsets(%dma_start3A_90 : memref<128xi32, #tpu.memory_space<vmem>>) semaphore(%arg11 : memref<!tpu.dma_semaphore, #tpu.memory_space<semaphore_mem>>)
      } else {
      }
      %add3A_76 = arith.constant 1 : i32
      %add3A_77 = arith.addi %mul3A_58, %add3A_76 : i32
      %mul3A_78 = arith.constant 128 : i32
      %mul3A_79 = arith.muli %add3A_77, %mul3A_78 : i32
      %dma_wait3A_80 = tpu.memref_slice %arg6[%mul3A_79] : memref<5120xi32, #tpu.memory_space<vmem>> -> memref<128xi32, #tpu.memory_space<vmem>>
      %dma_wait3A_81 = arith.constant 0 : i32
      %dma_wait3A_82 = arith.constant 0 : i32
      %dma_wait3A_83 = tpu.memref_slice %arg2[%dma_wait3A_81, %dma_wait3A_82] : memref<10000x128xf32, #tpu.memory_space<hbm>> -> memref<10000x128xf32, #tpu.memory_space<hbm>>
      tpu.wait_indirect_dma semaphore(%arg12 : memref<!tpu.dma_semaphore, #tpu.memory_space<semaphore_mem>>) src(%dma_wait3A_83 : memref<10000x128xf32, #tpu.memory_space<hbm>>) dst(%arg9 : memref<128x128xf32, #tpu.memory_space<vmem>>)
      %add3A_84 = arith.constant 1 : i32
      %add3A_85 = arith.addi %mul3A_58, %add3A_84 : i32
      "tpu.region"() ({
        %run_scoped3A = tpu.sem_alloc : memref<!tpu.dma_semaphore, #tpu.memory_space<semaphore_mem>>
        %dma_start3A_86 = arith.constant 0 : i32
        %dma_start3A_87 = tpu.memref_slice %arg7[%add3A_85, %dma_start3A_86] : memref<40x128xi32, #tpu.memory_space<vmem>> -> memref<1x128xi32, #tpu.memory_space<vmem>>
        %dma_start3A_88 = tpu.memref_squeeze %dma_start3A_87 : memref<1x128xi32, #tpu.memory_space<vmem>> -> memref<128xi32, #tpu.memory_space<vmem>>
        %dma_start3A_89 = arith.constant 0 : i32
        %dma_start3A_90 = arith.constant 0 : i32
        %dma_start3A_91 = tpu.memref_slice %arg10[%dma_start3A_89, %dma_start3A_90] : memref<10240x128xf32, #tpu.memory_space<vmem_shared>> -> memref<10240x128xf32, #tpu.memory_space<vmem_shared>>
        tpu.enqueue_indirect_dma source(%arg9 : memref<128x128xf32, #tpu.memory_space<vmem>>) target(%dma_start3A_91 : memref<10240x128xf32, #tpu.memory_space<vmem_shared>>) offsets(%dma_start3A_88 : memref<128xi32, #tpu.memory_space<vmem>>) semaphore(%run_scoped3A : memref<!tpu.dma_semaphore, #tpu.memory_space<semaphore_mem>>) {add = true}
        %dma_wait3A_92 = arith.constant 0 : i32
        %dma_wait3A_93 = tpu.memref_slice %arg7[%add3A_85, %dma_wait3A_92] : memref<40x128xi32, #tpu.memory_space<vmem>> -> memref<1x128xi32, #tpu.memory_space<vmem>>
        %dma_wait3A_94 = tpu.memref_squeeze %dma_wait3A_93 : memref<1x128xi32, #tpu.memory_space<vmem>> -> memref<128xi32, #tpu.memory_space<vmem>>
        %dma_wait3A_95 = arith.constant 0 : i32
        %dma_wait3A_96 = arith.constant 0 : i32
        %dma_wait3A_97 = tpu.memref_slice %arg10[%dma_wait3A_95, %dma_wait3A_96] : memref<10240x128xf32, #tpu.memory_space<vmem_shared>> -> memref<10240x128xf32, #tpu.memory_space<vmem_shared>>
        tpu.wait_indirect_dma semaphore(%run_scoped3A : memref<!tpu.dma_semaphore, #tpu.memory_space<semaphore_mem>>) src(%arg9 : memref<128x128xf32, #tpu.memory_space<vmem>>) dst(%dma_wait3A_97 : memref<10240x128xf32, #tpu.memory_space<vmem_shared>>)
        tpu.yield
      }) : () -> ()
    }
    %scan3A_50 = arith.constant 20 : i32
    %barrier3A_51 = arith.constant 0 : index
    tpu.barrier barrier_id(%barrier3A_51)
    %mul3A_52 = arith.constant 640 : i32
    %mul3A_53 = arith.muli %arg1, %mul3A_52 : i32
    %mul3A_54 = arith.constant 640 : i32
    %mul3A_55 = arith.muli %arg1, %mul3A_54 : i32
    "tpu.region"() ({
      %run_scoped3A = tpu.sem_alloc : memref<!tpu.dma_semaphore, #tpu.memory_space<semaphore_mem>>
      %dma_start3A_56 = arith.constant 0 : i32
      %dma_start3A_57 = tpu.memref_slice %arg5[%arg0, %mul3A_55, %dma_start3A_56] : memref<2x10240x128xf32, #tpu.memory_space<hbm>> -> memref<1x640x128xf32, #tpu.memory_space<hbm>>
      %dma_start3A_58 = tpu.memref_squeeze %dma_start3A_57 : memref<1x640x128xf32, #tpu.memory_space<hbm>> -> memref<640x128xf32, #tpu.memory_space<hbm>>
      %dma_start3A_59 = arith.constant 0 : i32
      %dma_start3A_60 = tpu.memref_slice %arg10[%mul3A_53, %dma_start3A_59] : memref<10240x128xf32, #tpu.memory_space<vmem_shared>> -> memref<640x128xf32, #tpu.memory_space<vmem_shared>>
      tpu.enqueue_dma source(%dma_start3A_60 : memref<640x128xf32, #tpu.memory_space<vmem_shared>>) target(%dma_start3A_58 : memref<640x128xf32, #tpu.memory_space<hbm>>) target_semaphore(%run_scoped3A : memref<!tpu.dma_semaphore, #tpu.memory_space<semaphore_mem>>)
      %dma_wait3A = arith.constant 0 : i32
      %dma_wait3A_61 = tpu.memref_slice %arg5[%arg0, %mul3A_55, %dma_wait3A] : memref<2x10240x128xf32, #tpu.memory_space<hbm>> -> memref<1x640x128xf32, #tpu.memory_space<hbm>>
      %dma_wait3A_62 = tpu.memref_squeeze %dma_wait3A_61 : memref<1x640x128xf32, #tpu.memory_space<hbm>> -> memref<640x128xf32, #tpu.memory_space<hbm>>
      %dma_wait3A_63 = arith.constant 0 : i32
      %dma_wait3A_64 = tpu.memref_slice %arg10[%mul3A_53, %dma_wait3A_63] : memref<10240x128xf32, #tpu.memory_space<vmem_shared>> -> memref<640x128xf32, #tpu.memory_space<vmem_shared>>
      tpu.wait_dma2 semaphore(%run_scoped3A : memref<!tpu.dma_semaphore, #tpu.memory_space<semaphore_mem>>) src(%dma_wait3A_64 : memref<640x128xf32, #tpu.memory_space<vmem_shared>>) dst(%dma_wait3A_62 : memref<640x128xf32, #tpu.memory_space<hbm>>)
      tpu.yield
    }) : () -> ()
    return
  }
}

module attributes {stable_mosaic.version = 14 : i64} {
  func.func @body(%arg0: i32, %arg1: memref<2000x128xf32, #tpu.memory_space<vmem>>, %arg2: memref<128x128xf32, #tpu.memory_space<vmem>>, %arg3: memref<2000x1xf32, #tpu.memory_space<vmem>>, %arg4: memref<2000x1xf32, #tpu.memory_space<vmem>>, %arg5: memref<2000x128xf32, #tpu.memory_space<vmem>>) attributes {dimension_semantics = [#tpu.dimension_semantics<arbitrary>], iteration_bounds = array<i64: 5>, scalar_prefetch = 0 : i64, scratch_operands = 0 : i64, tpu.core_type = #tpu.core_type<tc>, window_params = [{transform_indices = @transform_0, window_bounds = array<i64: 2000, 128>}, {pipeline_mode = #tpu.pipeline_mode<synchronous>, transform_indices = @transform_1, window_bounds = array<i64: 128, 128>}, {transform_indices = @transform_2, window_bounds = array<i64: 2000, 1>}, {transform_indices = @transform_3, window_bounds = array<i64: 2000, 1>}, {transform_indices = @transform_4, window_bounds = array<i64: 2000, 128>}]} {
    %get3A = arith.constant 0 : index
    %get3A_0 = arith.constant 0 : index
    %get3A_1 = vector.load %arg3[%get3A, %get3A_0] : memref<2000x1xf32, #tpu.memory_space<vmem>>, vector<2000x1xf32>
    %add3A = arith.constant 1.000000e+00 : f32
    %add3A_2 = vector.broadcast %add3A : f32 to vector<2000x1xf32>
    %add3A_3 = arith.addf %add3A_2, %get3A_1 : vector<2000x1xf32>
    %get3A_4 = arith.constant 0 : index
    %get3A_5 = arith.constant 0 : index
    %get3A_6 = vector.load %arg4[%get3A_4, %get3A_5] : memref<2000x1xf32, #tpu.memory_space<vmem>>, vector<2000x1xf32>
    %add3A_7 = arith.addf %add3A_3, %get3A_6 : vector<2000x1xf32>
    %rsqrt3A = math.rsqrt %add3A_7 : vector<2000x1xf32>
    %get3A_8 = arith.constant 0 : index
    %get3A_9 = arith.constant 0 : index
    %get3A_10 = vector.load %arg1[%get3A_8, %get3A_9] : memref<2000x128xf32, #tpu.memory_space<vmem>>, vector<2000x128xf32>
    %get3A_11 = arith.constant 0 : index
    %get3A_12 = arith.constant 0 : index
    %get3A_13 = vector.load %arg2[%get3A_11, %get3A_12] : memref<128x128xf32, #tpu.memory_space<vmem>>, vector<128x128xf32>
    %dot_general3A = arith.constant dense<0.000000e+00> : vector<2000x128xf32>
    %dot_general3A_14 = tpu.matmul %get3A_10, %get3A_13, %dot_general3A {dimension_numbers = #tpu.dot_dimension_numbers<[1], [0], [0], [1], [0, 0, 1, 1], [], []>, transpose_lhs_hint = false} : vector<2000x128xf32>, vector<128x128xf32>, vector<2000x128xf32> -> vector<2000x128xf32>
    %mul3A = vector.broadcast %rsqrt3A : vector<2000x1xf32> to vector<2000x128xf32>
    %mul3A_15 = arith.mulf %dot_general3A_14, %mul3A : vector<2000x128xf32>
    %swap3A = arith.constant 0 : index
    %swap3A_16 = arith.constant 0 : index
    %swap3A_17 = vector.load %arg5[%swap3A, %swap3A_16] : memref<2000x128xf32, #tpu.memory_space<vmem>>, vector<2000x128xf32>
    tpu.vector_store %arg5[%swap3A, %swap3A_16], %mul3A_15 {strides = array<i32>} : memref<2000x128xf32, #tpu.memory_space<vmem>>, vector<2000x128xf32>,
    return
  }
  func.func @transform_0(%arg0: i32) -> (i32, i32) {
    %c0_i32 = arith.constant 0 : i32
    %c0_i32_0 = arith.constant 0 : i32
    return %arg0, %c0_i32 : i32, i32
  }
  func.func @transform_1(%arg0: i32) -> (i32, i32) {
    %c0_i32 = arith.constant 0 : i32
    %c0_i32_0 = arith.constant 0 : i32
    %c0_i32_1 = arith.constant 0 : i32
    return %c0_i32, %c0_i32_0 : i32, i32
  }
  func.func @transform_2(%arg0: i32) -> (i32, i32) {
    %c0_i32 = arith.constant 0 : i32
    %c0_i32_0 = arith.constant 0 : i32
    return %arg0, %c0_i32 : i32, i32
  }
  func.func @transform_3(%arg0: i32) -> (i32, i32) {
    %c0_i32 = arith.constant 0 : i32
    %c0_i32_0 = arith.constant 0 : i32
    return %arg0, %c0_i32 : i32, i32
  }
  func.func @transform_4(%arg0: i32) -> (i32, i32) {
    %c0_i32 = arith.constant 0 : i32
    %c0_i32_0 = arith.constant 0 : i32
    return %arg0, %c0_i32 : i32, i32
  }
}

module attributes {stable_mosaic.version = 14 : i64} {
  func.func @body(%arg0: i32, %arg1: memref<2x2000x128xf32, #tpu.memory_space<vmem>>, %arg2: memref<2000x128xf32, #tpu.memory_space<vmem>>, %arg3: memref<2000x1xf32, #tpu.memory_space<vmem>>, %arg4: memref<2000x1xf32, #tpu.memory_space<vmem>>, %arg5: memref<1x128xf32, #tpu.memory_space<vmem>>, %arg6: memref<128x128xf32, #tpu.memory_space<vmem>>, %arg7: memref<2000x128xf32, #tpu.memory_space<vmem>>) attributes {dimension_semantics = [#tpu.dimension_semantics<arbitrary>], iteration_bounds = array<i64: 5>, scalar_prefetch = 0 : i64, scratch_operands = 0 : i64, tpu.core_type = #tpu.core_type<tc>, window_params = [{transform_indices = @transform_0, window_bounds = array<i64: 2, 2000, 128>}, {transform_indices = @transform_1, window_bounds = array<i64: 2000, 128>}, {transform_indices = @transform_2, window_bounds = array<i64: 2000, 1>}, {transform_indices = @transform_3, window_bounds = array<i64: 2000, 1>}, {pipeline_mode = #tpu.pipeline_mode<synchronous>, transform_indices = @transform_4, window_bounds = array<i64: 1, 128>}, {pipeline_mode = #tpu.pipeline_mode<synchronous>, transform_indices = @transform_5, window_bounds = array<i64: 128, 128>}, {transform_indices = @transform_6, window_bounds = array<i64: 2000, 128>}]} {
    %get3A = arith.constant 0 : index
    %get3A_0 = arith.constant 0 : index
    %get3A_1 = vector.load %arg3[%get3A, %get3A_0] : memref<2000x1xf32, #tpu.memory_space<vmem>>, vector<2000x1xf32>
    %add3A = arith.constant 1.000000e+00 : f32
    %add3A_2 = vector.broadcast %add3A : f32 to vector<2000x1xf32>
    %add3A_3 = arith.addf %add3A_2, %get3A_1 : vector<2000x1xf32>
    %get3A_4 = arith.constant 0 : index
    %get3A_5 = arith.constant 0 : index
    %get3A_6 = vector.load %arg4[%get3A_4, %get3A_5] : memref<2000x1xf32, #tpu.memory_space<vmem>>, vector<2000x1xf32>
    %add3A_7 = arith.addf %add3A_3, %get3A_6 : vector<2000x1xf32>
    %rsqrt3A = math.rsqrt %add3A_7 : vector<2000x1xf32>
    %get3A_8 = arith.constant 0 : index
    %get3A_9 = arith.constant 0 : index
    %get3A_10 = arith.constant 0 : index
    %get3A_11 = vector.load %arg1[%get3A_8, %get3A_9, %get3A_10] : memref<2x2000x128xf32, #tpu.memory_space<vmem>>, vector<1x2000x128xf32>
    %get3A_12 = vector.shape_cast %get3A_11 : vector<1x2000x128xf32> to vector<2000x128xf32>
    %get3A_13 = arith.constant 1 : index
    %get3A_14 = arith.constant 0 : index
    %get3A_15 = arith.constant 0 : index
    %get3A_16 = vector.load %arg1[%get3A_13, %get3A_14, %get3A_15] : memref<2x2000x128xf32, #tpu.memory_space<vmem>>, vector<1x2000x128xf32>
    %get3A_17 = vector.shape_cast %get3A_16 : vector<1x2000x128xf32> to vector<2000x128xf32>
    %add3A_18 = arith.addf %get3A_12, %get3A_17 : vector<2000x128xf32>
    %get3A_19 = arith.constant 0 : index
    %get3A_20 = arith.constant 0 : index
    %get3A_21 = vector.load %arg2[%get3A_19, %get3A_20] : memref<2000x128xf32, #tpu.memory_space<vmem>>, vector<2000x128xf32>
    %add3A_22 = arith.addf %add3A_18, %get3A_21 : vector<2000x128xf32>
    %mul3A = vector.broadcast %rsqrt3A : vector<2000x1xf32> to vector<2000x128xf32>
    %mul3A_23 = arith.mulf %add3A_22, %mul3A : vector<2000x128xf32>
    %get3A_24 = arith.constant 0 : index
    %get3A_25 = arith.constant 0 : index
    %get3A_26 = vector.load %arg5[%get3A_24, %get3A_25] : memref<1x128xf32, #tpu.memory_space<vmem>>, vector<1x128xf32>
    %add3A_27 = vector.broadcast %get3A_26 : vector<1x128xf32> to vector<2000x128xf32>
    %add3A_28 = arith.addf %mul3A_23, %add3A_27 : vector<2000x128xf32>
    %max3A = arith.constant 0.000000e+00 : f32
    %max3A_29 = vector.broadcast %max3A : f32 to vector<2000x128xf32>
    %max3A_30 = arith.maximumf %add3A_28, %max3A_29 : vector<2000x128xf32>
    %get3A_31 = arith.constant 0 : index
    %get3A_32 = arith.constant 0 : index
    %get3A_33 = vector.load %arg6[%get3A_31, %get3A_32] : memref<128x128xf32, #tpu.memory_space<vmem>>, vector<128x128xf32>
    %dot_general3A = arith.constant dense<0.000000e+00> : vector<2000x128xf32>
    %dot_general3A_34 = tpu.matmul %max3A_30, %get3A_33, %dot_general3A {dimension_numbers = #tpu.dot_dimension_numbers<[1], [0], [0], [1], [0, 0, 1, 1], [], []>, transpose_lhs_hint = false} : vector<2000x128xf32>, vector<128x128xf32>, vector<2000x128xf32> -> vector<2000x128xf32>
    %mul3A_35 = vector.broadcast %rsqrt3A : vector<2000x1xf32> to vector<2000x128xf32>
    %mul3A_36 = arith.mulf %dot_general3A_34, %mul3A_35 : vector<2000x128xf32>
    %swap3A = arith.constant 0 : index
    %swap3A_37 = arith.constant 0 : index
    %swap3A_38 = vector.load %arg7[%swap3A, %swap3A_37] : memref<2000x128xf32, #tpu.memory_space<vmem>>, vector<2000x128xf32>
    tpu.vector_store %arg7[%swap3A, %swap3A_37], %mul3A_36 {strides = array<i32>} : memref<2000x128xf32, #tpu.memory_space<vmem>>, vector<2000x128xf32>,
    return
  }
  func.func @transform_0(%arg0: i32) -> (i32, i32, i32) {
    %c0_i32 = arith.constant 0 : i32
    %c0_i32_0 = arith.constant 0 : i32
    %c0_i32_1 = arith.constant 0 : i32
    return %c0_i32, %arg0, %c0_i32_0 : i32, i32, i32
  }
  func.func @transform_1(%arg0: i32) -> (i32, i32) {
    %c0_i32 = arith.constant 0 : i32
    %c0_i32_0 = arith.constant 0 : i32
    return %arg0, %c0_i32 : i32, i32
  }
  func.func @transform_2(%arg0: i32) -> (i32, i32) {
    %c0_i32 = arith.constant 0 : i32
    %c0_i32_0 = arith.constant 0 : i32
    return %arg0, %c0_i32 : i32, i32
  }
  func.func @transform_3(%arg0: i32) -> (i32, i32) {
    %c0_i32 = arith.constant 0 : i32
    %c0_i32_0 = arith.constant 0 : i32
    return %arg0, %c0_i32 : i32, i32
  }
  func.func @transform_4(%arg0: i32) -> (i32, i32) {
    %c0_i32 = arith.constant 0 : i32
    %c0_i32_0 = arith.constant 0 : i32
    %c0_i32_1 = arith.constant 0 : i32
    return %c0_i32, %c0_i32_0 : i32, i32
  }
  func.func @transform_5(%arg0: i32) -> (i32, i32) {
    %c0_i32 = arith.constant 0 : i32
    %c0_i32_0 = arith.constant 0 : i32
    %c0_i32_1 = arith.constant 0 : i32
    return %c0_i32, %c0_i32_0 : i32, i32
  }
  func.func @transform_6(%arg0: i32) -> (i32, i32) {
    %c0_i32 = arith.constant 0 : i32
    %c0_i32_0 = arith.constant 0 : i32
    return %arg0, %c0_i32 : i32, i32
  }
}

module attributes {stable_mosaic.version = 14 : i64} {
  func.func @body(%arg0: i32, %arg1: memref<2x2000x128xf32, #tpu.memory_space<vmem>>, %arg2: memref<2000x128xf32, #tpu.memory_space<vmem>>, %arg3: memref<2000x1xf32, #tpu.memory_space<vmem>>, %arg4: memref<2000x1xf32, #tpu.memory_space<vmem>>, %arg5: memref<1x128xf32, #tpu.memory_space<vmem>>, %arg6: memref<2000x128xf32, #tpu.memory_space<vmem>>) attributes {dimension_semantics = [#tpu.dimension_semantics<arbitrary>], iteration_bounds = array<i64: 5>, scalar_prefetch = 0 : i64, scratch_operands = 0 : i64, tpu.core_type = #tpu.core_type<tc>, window_params = [{transform_indices = @transform_0, window_bounds = array<i64: 2, 2000, 128>}, {transform_indices = @transform_1, window_bounds = array<i64: 2000, 128>}, {transform_indices = @transform_2, window_bounds = array<i64: 2000, 1>}, {transform_indices = @transform_3, window_bounds = array<i64: 2000, 1>}, {pipeline_mode = #tpu.pipeline_mode<synchronous>, transform_indices = @transform_4, window_bounds = array<i64: 1, 128>}, {transform_indices = @transform_5, window_bounds = array<i64: 2000, 128>}]} {
    %get3A = arith.constant 0 : index
    %get3A_0 = arith.constant 0 : index
    %get3A_1 = vector.load %arg3[%get3A, %get3A_0] : memref<2000x1xf32, #tpu.memory_space<vmem>>, vector<2000x1xf32>
    %add3A = arith.constant 1.000000e+00 : f32
    %add3A_2 = vector.broadcast %add3A : f32 to vector<2000x1xf32>
    %add3A_3 = arith.addf %add3A_2, %get3A_1 : vector<2000x1xf32>
    %get3A_4 = arith.constant 0 : index
    %get3A_5 = arith.constant 0 : index
    %get3A_6 = vector.load %arg4[%get3A_4, %get3A_5] : memref<2000x1xf32, #tpu.memory_space<vmem>>, vector<2000x1xf32>
    %add3A_7 = arith.addf %add3A_3, %get3A_6 : vector<2000x1xf32>
    %rsqrt3A = math.rsqrt %add3A_7 : vector<2000x1xf32>
    %get3A_8 = arith.constant 0 : index
    %get3A_9 = arith.constant 0 : index
    %get3A_10 = arith.constant 0 : index
    %get3A_11 = vector.load %arg1[%get3A_8, %get3A_9, %get3A_10] : memref<2x2000x128xf32, #tpu.memory_space<vmem>>, vector<1x2000x128xf32>
    %get3A_12 = vector.shape_cast %get3A_11 : vector<1x2000x128xf32> to vector<2000x128xf32>
    %get3A_13 = arith.constant 1 : index
    %get3A_14 = arith.constant 0 : index
    %get3A_15 = arith.constant 0 : index
    %get3A_16 = vector.load %arg1[%get3A_13, %get3A_14, %get3A_15] : memref<2x2000x128xf32, #tpu.memory_space<vmem>>, vector<1x2000x128xf32>
    %get3A_17 = vector.shape_cast %get3A_16 : vector<1x2000x128xf32> to vector<2000x128xf32>
    %add3A_18 = arith.addf %get3A_12, %get3A_17 : vector<2000x128xf32>
    %get3A_19 = arith.constant 0 : index
    %get3A_20 = arith.constant 0 : index
    %get3A_21 = vector.load %arg2[%get3A_19, %get3A_20] : memref<2000x128xf32, #tpu.memory_space<vmem>>, vector<2000x128xf32>
    %add3A_22 = arith.addf %add3A_18, %get3A_21 : vector<2000x128xf32>
    %mul3A = vector.broadcast %rsqrt3A : vector<2000x1xf32> to vector<2000x128xf32>
    %mul3A_23 = arith.mulf %add3A_22, %mul3A : vector<2000x128xf32>
    %get3A_24 = arith.constant 0 : index
    %get3A_25 = arith.constant 0 : index
    %get3A_26 = vector.load %arg5[%get3A_24, %get3A_25] : memref<1x128xf32, #tpu.memory_space<vmem>>, vector<1x128xf32>
    %add3A_27 = vector.broadcast %get3A_26 : vector<1x128xf32> to vector<2000x128xf32>
    %add3A_28 = arith.addf %mul3A_23, %add3A_27 : vector<2000x128xf32>
    %swap3A = arith.constant 0 : index
    %swap3A_29 = arith.constant 0 : index
    %swap3A_30 = vector.load %arg6[%swap3A, %swap3A_29] : memref<2000x128xf32, #tpu.memory_space<vmem>>, vector<2000x128xf32>
    tpu.vector_store %arg6[%swap3A, %swap3A_29], %add3A_28 {strides = array<i32>} : memref<2000x128xf32, #tpu.memory_space<vmem>>, vector<2000x128xf32>,
    return
  }
  func.func @transform_0(%arg0: i32) -> (i32, i32, i32) {
    %c0_i32 = arith.constant 0 : i32
    %c0_i32_0 = arith.constant 0 : i32
    %c0_i32_1 = arith.constant 0 : i32
    return %c0_i32, %arg0, %c0_i32_0 : i32, i32, i32
  }
  func.func @transform_1(%arg0: i32) -> (i32, i32) {
    %c0_i32 = arith.constant 0 : i32
    %c0_i32_0 = arith.constant 0 : i32
    return %arg0, %c0_i32 : i32, i32
  }
  func.func @transform_2(%arg0: i32) -> (i32, i32) {
    %c0_i32 = arith.constant 0 : i32
    %c0_i32_0 = arith.constant 0 : i32
    return %arg0, %c0_i32 : i32, i32
  }
  func.func @transform_3(%arg0: i32) -> (i32, i32) {
    %c0_i32 = arith.constant 0 : i32
    %c0_i32_0 = arith.constant 0 : i32
    return %arg0, %c0_i32 : i32, i32
  }
  func.func @transform_4(%arg0: i32) -> (i32, i32) {
    %c0_i32 = arith.constant 0 : i32
    %c0_i32_0 = arith.constant 0 : i32
    %c0_i32_1 = arith.constant 0 : i32
    return %c0_i32, %c0_i32_0 : i32, i32
  }
  func.func @transform_5(%arg0: i32) -> (i32, i32) {
    %c0_i32 = arith.constant 0 : i32
    %c0_i32_0 = arith.constant 0 : i32
    return %arg0, %c0_i32 : i32, i32
  }
}

</mosaic_0001>

<sc_bundles>
// kernel: kernel.11.cloned.1.call-start
scs
__scs_entry_jumppad:
0x0: {  	(pc) =	sbr.rel $0x88, $3  }
0x1: {  	(tag) =	ssettag $0x0;
	lr =	simm.s32 $0x1  }
0x2: {  	[smem:$0x3F9B] =	sst lr;
	_ =	strace $0xD0000000  }
0x3: {  	_ = 	snop  }
0x4: {  	_ = 	snop  }
0x5: {  	_ = 	snop  }
0x6: {  	_ = 	snop  }
0x7: {  	_ = 	snop  }
__scs_overlays_trampoline_lowered:
0x8: {  	[smem:$0x3FAA] =	sst s0  }
0x9: {  	[smem:$0x3FAB] =	sst s1  }
0xa: {  	[smem:$0x3FAC] =	sst s2  }
0xb: {  	[smem:$0x3FAD] =	sst s3  }
0xc: {  	[smem:$0x3FAE] =	sst s4  }
0xd: {  	[smem:$0x3FAF] =	sst s5  }
0xe: {  	[smem:$0x3FB0] =	sst s6  }
0xf: {  	[smem:$0x3FB1] =	sst s7  }
0x10: {  	[smem:$0x3FB2] =	sst s8  }
0x11: {  	[smem:$0x3FB3] =	sst s9;
	s0 =	simm.s32 @!p0 $0x0  }
0x12: {  	s1 =	sld [smem:$0x3F99];
	s0 =	simm.s32 @p0 $0x1  }
0x13: {  	[smem:$0x3FB4] =	sst s0;
	s0 =	simm.s32 @!p1 $0x0  }
0x14: {  	s2 =	sld [smem:$0x3F98];
	s0 =	simm.s32 @p1 $0x1  }
0x15: {  	[smem:$0x3FB5] =	sst s0;
	s0 =	simm.s32 @!p2 $0x0  }
0x16: {  	s3 =	sld [smem:$0x3FDB];
	s0 =	simm.s32 @p2 $0x1  }
0x17: {  	s4 =	simm.s32 $0x1BF5;
	[smem:$0x3FB7] =	sst s0  }
0x18: {  	s0 =	sld [smem:$0x3F9A];
	_ =	swait.ge [sflag:s4], $0x0  }
0x19: {  	s7 =	sld [smem:$0x3F9B]  }
0x1a: {  	s8 =	sadd.s32 $0xFFFFE003, lr  }
0x1b: {  	s9 =	sadd.s32 $0xFFFFFEF7, lr;
	s5 =	simm.s32 $0xFFFFFFFF;
	p2 =	slt.u32 s8, $0xFFFFF086  }
0x1c: {  	p1 =	slt.u32 s9, $0xF7A;
	s5 =	simm.s32 @!p2 $0x0  }
0x1d: {  	s5 =	simm.s32 @p1 $0x1;
	p0 =	seq.s32 s7, s2  }
0x1e: {  	s7 =	smul.u32 @!p0 $0xF7A, s2;
	p2 =	seq.s32 @!p0 s5, $0x0  }
0x1f: {  	s9 =	smul.u32 $0xF7A, s1;
	s8 =	simm.s32 @!p0 $0x1BF5;
	p2 =	por !p2, p0  }
0x20: {  	[sflag:s8] =	ssyncset.s32 @!p0 $0xFFFFF086;
	s6 =	sadd.s32 @!p0 s3, s7;
	s7 =	simm.s32 @!p0 $0x108  }
0x21: {  	s3 =	sadd.s32 s3, s9;
	s6 =	sadd.s32 @!p0 $0x88, s6;
	s7 =	simm.s32 @p2 $0x1082  }
0x22: {  	[simem:s7], [sflag:s8] =	dma.local @!p0 [hbm:s6], $0xF7A  }
0x23: {  	s9 =	sor.u32 $0xD0000000, s2;
	s6 =	simm.s32 $0x108;
	_ =	swait.ge @!p0 [sflag:s8], $0x0  }
0x24: {  	s3 =	sadd.s32 $0x88, s3;
	s6 =	simm.s32 @!p1 $0x1082;
	[sflag:s4] =	ssyncset.s32 $0xFFFFF086  }
0x25: {  	[simem:s6], [sflag:s4] =	dma.local [hbm:s3], $0xF7A  }
0x26: {  	[smem:$0x3F9B] =	sst s1;
	(tag) =	ssettag s2;
	_ =	strace s9  }
0x27: {  	s1 =	sld [smem:$0x3FAB]  }
0x28: {  	s2 =	sld [smem:$0x3FAC]  }
0x29: {  	s4 =	sld [smem:$0x3FAE]  }
0x2a: {  	p0 =	seq.s32 s5, $0x0;
	s5 =	sld [smem:$0x3FAF]  }
0x2b: {  	s6 =	sld [smem:$0x3FB0]  }
0x2c: {  	s7 =	sld [smem:$0x3FB1]  }
0x2d: {  	s3 =	simm.s32 $0x108;
	s8 =	sld [smem:$0x3FB2]  }
0x2e: {  	s3 =	simm.s32 @!p0 $0x1082;
	s9 =	sld [smem:$0x3FB3]  }
0x2f: {  	lr =	sadd.s32 s0, s3;
	s0 =	sld [smem:$0x3FAA]  }
0x30: {  	s3 =	sld [smem:$0x3FAD]  }
0x31: {  	[smem:$0x3FB6] =	sst s10  }
0x32: {  	s10 =	sld [smem:$0x3FB4];
	_ =	sdelay $0x3  }
0x33: {  	p0 =	seq.s32 s10, $0x1;
	s10 =	sld [smem:$0x3FB6];
	_ =	sdelay $0x3  }
0x34: {  	[smem:$0x3FB6] =	sst s10  }
0x35: {  	s10 =	sld [smem:$0x3FB5];
	_ =	sdelay $0x3  }
0x36: {  	p1 =	seq.s32 s10, $0x1;
	s10 =	sld [smem:$0x3FB6];
	_ =	sdelay $0x3  }
0x37: {  	[smem:$0x3FB6] =	sst s10  }
0x38: {  	s10 =	sld [smem:$0x3FB7]  }
0x39: {  	_ = 	snop;
	(pc) =	sbr.ind lr, $3  }
0x3a: {  	_ = 	snop  }
0x3b: {  	_ = 	snop  }
0x3c: {  	p2 =	seq.s32 s10, $0x1;
	s10 =	sld [smem:$0x3FB6]  }
0x3d: {  	_ =	shalt  }
0x3e: {  	_ =	shalt  }
0x3f: {  	_ =	shalt  }
0x40: {  	_ =	shalt  }
0x41: {  	_ =	shalt  }
0x42: {  	_ =	shalt  }
0x43: {  	_ =	shalt  }
0x44: {  	_ =	shalt  }
0x45: {  	_ =	shalt  }
0x46: {  	_ =	shalt  }
0x47: {  	_ =	shalt  }
0x48: {  	_ =	shalt  }
0x49: {  	_ =	shalt  }
0x4a: {  	_ =	shalt  }
0x4b: {  	_ =	shalt  }
0x4c: {  	_ =	shalt  }
0x4d: {  	_ =	shalt  }
0x4e: {  	_ =	shalt  }
0x4f: {  	_ =	shalt  }
0x50: {  	_ =	shalt  }
0x51: {  	_ =	shalt  }
0x52: {  	_ =	shalt  }
0x53: {  	_ =	shalt  }
0x54: {  	_ =	shalt  }
0x55: {  	_ =	shalt  }
0x56: {  	_ =	shalt  }
0x57: {  	_ =	shalt  }
0x58: {  	_ =	shalt  }
0x59: {  	_ =	shalt  }
0x5a: {  	_ =	shalt  }
0x5b: {  	_ =	shalt  }
0x5c: {  	_ =	shalt  }
0x5d: {  	_ =	shalt  }
0x5e: {  	_ =	shalt  }
0x5f: {  	_ =	shalt  }
0x60: {  	_ =	shalt  }
0x61: {  	_ =	shalt  }
0x62: {  	_ =	shalt  }
0x63: {  	_ =	shalt  }
0x64: {  	_ =	shalt  }
0x65: {  	_ =	shalt  }
0x66: {  	_ =	shalt  }
0x67: {  	_ =	shalt  }
0x68: {  	_ =	shalt  }
0x69: {  	_ =	shalt  }
0x6a: {  	_ =	shalt  }
0x6b: {  	_ =	shalt  }
0x6c: {  	_ =	shalt  }
0x6d: {  	_ =	shalt  }
0x6e: {  	_ =	shalt  }
0x6f: {  	_ =	shalt  }
0x70: {  	_ =	shalt  }
0x71: {  	_ =	shalt  }
0x72: {  	_ =	shalt  }
0x73: {  	_ =	shalt  }
0x74: {  	_ =	shalt  }
0x75: {  	_ =	shalt  }
0x76: {  	_ =	shalt  }
0x77: {  	_ =	shalt  }
0x78: {  	_ =	shalt  }
0x79: {  	_ =	shalt  }
0x7a: {  	_ =	shalt  }
0x7b: {  	_ =	shalt  }
0x7c: {  	_ =	shalt  }
0x7d: {  	_ =	shalt  }
0x7e: {  	_ =	shalt  }
0x7f: {  	_ =	shalt  }
0x80: {  	_ =	shalt  }
0x81: {  	_ =	shalt  }
0x82: {  	_ =	shalt  }
0x83: {  	_ =	shalt  }
0x84: {  	_ =	shalt  }
0x85: {  	_ =	shalt  }
0x86: {  	_ =	shalt  }
0x87: {  	_ =	shalt  }
.Lfunc_end0:
.L_simem_size_0:
called_computation.1_lowered:
.L_overlay_start_0:
0x88: {  	s2 =	sld [smem:$0x3FD9]  }
0x89: {  	s3 =	sld [smem:$0x3FFE];
	_ =	sdelay $0x1  }
0x8a: {  	s1 =	srdreg.scid  }
0x8b: {  	s0 =	sand.u32 $0x1, s1  }
0x8c: {  	s17 =	sshll.u32 s0, $0xA;
	s2 =	sadd.s32 s3, s2  }
0x8d: {  	s2 =	sadd.s32 s2, s17  }
0x8e: {  	[smem:$0x3FC2] =	sst s2  }
0x8f: {  	_ = 	snop  }
0x90: {  	s2 =	sld [smem:$0x3FD0];
	(tm) =	ssettm $0x1  }
0x91: {  	s18 =	sld [smem:$0x3FFB];
	_ =	sdelay $0x3  }
0x92: {  	_ =	strace s18  }
0x93: {  	s3 =	sld [smem:$0x3FFC];
	_ =	sdelay $0x3  }
0x94: {  	_ =	strace s3  }
0x95: {  	s3 =	sld [smem:$0x3FFD];
	_ =	sdelay $0x3  }
0x96: {  	_ =	strace s3  }
0x97: {  	_ =	strace $0x8FFFFFFF  }
0x98: {  	s19 =	sld [smem:$0x3FDB];
	_ =	sdelay $0x1  }
0x99: {  	s4 =	simm.s32 $_scs_section_size  }
0x9a: {  	s5 =	simm.s32 $_size__tile_overlayer_lowered;
	s6 =	simm.s32 $_tile_overlayer_lowered  }
0x9b: {  	s22 =	simm.s32 $0x1BFF;
	s21 =	sshll.u32 s6, $0x1;
	s3 =	sadd.s32 s4, s19  }
0x9c: {  	s7 =	simm.s32 $0x0;
	s20 =	sshll.u32 s5, $0x1;
	s5 =	sadd.s32 s21, s3  }
0x9d: {  	[timem:s7], [sflag:s22] =	dma.local [hbm:s5], s20  }
0x9e: {  	_ =	swait.ge [sflag:s22], s20  }
0x9f: {  	s4 =	ssub.s32 $0x0, s20;
	[sflag:s22] =	ssyncset.done $0x0  }
0xa0: {  	[sflag:s22] =	ssyncadd.s32 s4;
	_ =	sdelay $0x1  }
0xa1: {  	s23 =	simm.s32 $0x1B8B  }
0xa2: {  	_ =	swait.ge [sflag:s23], $0x1  }
0xa3: {  	[sflag:s23] =	ssyncset.done $0x0  }
0xa4: {  	s25 =	simm.s32 $0x1B8E;
	s24 =	sld [smem:$0x3FFE];
	[sflag:s23] =	ssyncadd.s32 $0xFFFFFFFF  }
0xa5: {  	s26 =	simm.s32 $execute0_lowered;
	[smem:$0x3FD2] =	sst s25  }
0xa6: {  	s5 =	sshll.u32 s26, $0x1;
	_ =	strace $0x80000049;
	[dreg:$0x1] =	wrdreg $0xFFFFFFFF  }
0xa7: {  	s28 =	simm.s32 $_size_execute0_lowered;
	s3 =	sadd.s32 s3, s5;
	[dreg:$0x0] =	wrdreg $0x0  }
0xa8: {  	s5 =	sshll.u32 s28, $0x1;
	[dreg:$0x2] =	wrdreg s3  }
0xa9: {  	[dreg:$0x3] =	wrdreg s5  }
0xaa: {  	[dreg:$0x4] =	wrdreg $0xC0  }
0xab: {  	_ =	task [dreg:s7], $0x5FFFF  }
0xac: {  	[dreg:$0x1] =	wrdreg $0xFFFFFFFF  }
0xad: {  	[dreg:$0x0] =	wrdreg $0x60  }
0xae: {  	[dreg:$0x2] =	wrdreg s2  }
0xaf: {  	[dreg:$0x3] =	wrdreg s24  }
0xb0: {  	[dreg:$0x4] =	wrdreg $0xA8000  }
0xb1: {  	[dreg:$0x5] =	wrdreg $0x9  }
0xb2: {  	_ =	task.clear_ibuf [dreg:s7], $0x6FFFF;
	_ =	strace $0x90000049  }
0xb3: {  	s29 =	simm.s32 $0x9;
	_ =	strace $0x8000004B  }
0xb4: {  	_ =	swait.ge [sflag:s29], $0x1  }
0xb5: {  	[sflag:s29] =	ssyncadd.s32 $0xFFFFFFFF  }
0xb6: {  	_ =	strace $0x9000004B  }
0xb7: {  	_ =	sfence  }
0xb8: {  	s30 =	sld [smem:$0x0];
	_ =	sdelay $0x2  }
0xb9: {  	s31 =	sshll.u32 s1, $0xD;
	s1 =	sshrl.u32 s1, $0x2  }
0xba: {  	s3 =	sand.u32 $0x4000, s31;
	s1 =	sadd.s32 s1, s30  }
0xbb: {  	s0 =	sor.u32 s3, s0;
	s1 =	sshll.u32 s1, $0x11  }
0xbc: {  	s0 =	sor.u32 s1, s0  }
0xbd: {  	s0 =	sadd.s32 $0x8F2B, s0  }
0xbe: {  	[sflag:s0] =	ssyncadd.remote.s32 $0x1  }
0xbf: {  	_ =	sfence.sel $0xFFFF  }
0xc0: {  	[dreg:$0x0] =	wrdreg $0xFFFFFFFF;
	(pc) =	sbr.abs _section_cstart, $3  }
0xc1: {  	[dreg:$0x1] =	wrdreg $0xFFFFFFFF  }
0xc2: {  	_ =	task.clear_ibuf [dreg:s7], $0x2FFFF;
	_ =	strace $0x9FFFFFFF  }
0xc3: {  	(tm) =	ssettm $0x7FFFFFFF  }
tec
execute0_lowered:
.L_overlay_start_1:
0x0: {  	(tag) =	ssettag $0x1  }
0x1: {  	s1 =	rddreg [dreg:$0x0]  }
0x2: {  	s5 =	rddreg [dreg:$0x1]  }
0x3: {  	s2 =	rddreg [dreg:$0x2];
	s3 =	srdreg.scid;
	s4 =	simm.s32 $0x0  }
0x4: {  	s16 =	simm.s32 $0x2800;
	s17 =	simm.s32 $0x3;
	s18 =	simm.s32 $0x1400  }
0x5: {  	s19 =	simm.s32 $0x1;
	s20 =	simm.s32 $0x80;
	s21 =	simm.s32 $0x6800  }
0x6: {  	s22 =	simm.s32 $0x2;
	s23 =	simm.s32 $0x1380;
	s24 =	simm.s32 $0x2700  }
0x7: {  	s26 =	simm.s32 $0x2780;
	s6 =	sand.u32 $0x1, s3;
	s3 =	stileid.u32  }
0x8: {  	[smem:$0x7FF] =	sst s4;
	s8 =	sadd.s32 $0xCC00, s5;
	s7 =	smul.u32 $0x140000, s6  }
0x9: {  	s14 =	sadd.s32 $0x2C00, s5;
	s11 =	smul.u32 $0x14000, s3;
	_ =	strace $0x8000004A  }
0xa: {  	s9 =	sshll.u32 s6, $0x4;
	s6 =	ssub.s32 $0x2, s6;
	s10 =	smul.u32 $0x50000, s3  }
0xb: {  	s9 =	sor.u32 s3, s9;
	s12 =	sshrl.u32 s6, $0x1;
	s7 =	sadd.s32 s11, s7  }
0xc: {  	s13 =	smul.u32 $0x2800, s9;
	s12 =	ssub.s32 s6, s12;
	s29 =	sshrl.u32 s10, $0x2  }
0xd: {  	s9 =	smul.u32 $0x500, s9;
	s25 =	sadd.s32 s11, s2;
	s7 =	sshrl.u32 s7, $0x3  }
0xe: {  	s11 =	smax.u32 s12, $0x1;
	s25 =	sshrl.u32 s25, $0x3;
	s15 =	sadd.s32 s7, s5  }
0xf: {  	s30 =	sshrl.u32 s13, $0x3;
	s5 =	sadd.s32 s29, s2;
	s7 =	sadd.s32 s14, s9  }
0x10: {  	s6 =	sadd.s32 s8, s30;
	s31 =	sadd.s32 $0x280, s30;
	s10 =	sadd.s32 $0x16C00, s15  }
0x11: {  	s12 =	sadd.s32 $0x4000, s5;
	s13 =	sadd.s32 $0x8000, s5;
	s15 =	sadd.s32 $0x10000, s5  }
0x12: {  	v0 =	vimm.f32 $0.0e+00;
	s8 =	sadd.s32 s8, s31;
	s9 =	sadd.s32 s14, s31;
	s14 =	sadd.s32 $0xC000, s5  }
.LBB2_1:
0x13: {  	s28 =	simm.s32 $0x0;
	s29 =	simm.s32 $0x200  }
.LBB2_2:
0x14: {  	p0 =	sne.s32 s29, $0xFE00;
	[tilespmem:s28+$0x2870] =	vst v0  }
0x15: {  	[tilespmem:s28+$0x2800] =	vst v0  }
0x16: {  	[tilespmem:s28+$0x2810] =	vst v0  }
.Ltmp0:
0x17: {  	[tilespmem:s28+$0x2820] =	vst v0;
	(pc) =	sbr.rel @p0 .LBB2_2-.Ltmp0, $4  }
0x18: {  	[tilespmem:s28+$0x2830] =	vst v0  }
0x19: {  	[tilespmem:s28+$0x2840] =	vst v0  }
0x1a: {  	[tilespmem:s28+$0x2850] =	vst v0  }
0x1b: {  	[tilespmem:s28+$0x2860] =	vst v0;
	s28 =	sshra.s32 s29, $0x2;
	s29 =	sadd.s32 $0x200, s29  }
0x1c: {  	[tilespmem:s28+$0x2870] =	vst v0  }
0x1d: {  	[tilespmem:s28+$0x2800] =	vst v0  }
0x1e: {  	[tilespmem:s28+$0x2810] =	vst v0  }
0x1f: {  	[tilespmem:s28+$0x2820] =	vst v0  }
0x20: {  	[tilespmem:s28+$0x2830] =	vst v0  }
0x21: {  	[tilespmem:s28+$0x2840] =	vst v0  }
0x22: {  	[tilespmem:s28+$0x2850] =	vst v0  }
0x23: {  	[tilespmem:s28+$0x2860] =	vst v0  }
0x24: {  	[spmem:s5] =	stream.linear.scatter [tilespmem:s16], [sflag:$0x1], $0x4000, $0x38;
	[tilespmem:$0x1E800] =	vst v63  }
0x25: {  	_ = 	snop  }
0x26: {  	[spmem:s12] =	stream.linear.scatter [tilespmem:s16], [sflag:$0x1], $0x4000, $0x38;
	[tilespmem:$0x1E800] =	vst v63  }
0x27: {  	_ = 	snop  }
0x28: {  	[spmem:s13] =	stream.linear.scatter [tilespmem:s16], [sflag:$0x1], $0x4000, $0x38;
	[tilespmem:$0x1E800] =	vst v63  }
0x29: {  	_ = 	snop  }
0x2a: {  	[spmem:s14] =	stream.linear.scatter [tilespmem:s16], [sflag:$0x1], $0x4000, $0x38;
	[tilespmem:$0x1E800] =	vst v63  }
0x2b: {  	_ = 	snop  }
0x2c: {  	[spmem:s15] =	stream.linear.scatter [tilespmem:s16], [sflag:$0x1], $0x4000, $0x38;
	[tilespmem:$0x1E800] =	vst v63  }
0x2d: {  	s28 =	simm.s32 $0x0  }
0x2e: {  	[tilespmem:s28], [sflag:$0x3] =	stream.linear.gather [hbm4b:s6+s28], $0x1400, $0x38;
	[tilespmem:$0x1E800] =	vst v63  }
0x2f: {  	_ =	swait.ge [sflag:s17], $0x1400  }
0x30: {  	[sflag:s17] =	ssyncset.done $0x0  }
0x31: {  	[sflag:s17] =	ssyncadd.s32 $0xFFFFEC00  }
0x32: {  	[tilespmem:s18], [sflag:$0x3] =	stream.linear.gather [hbm4b:s7+s28], $0x1400, $0x38;
	[tilespmem:$0x1E800] =	vst v63  }
0x33: {  	_ =	swait.ge [sflag:s17], $0x1400  }
0x34: {  	[sflag:s17] =	ssyncset.done $0x0  }
0x35: {  	[sflag:s17] =	ssyncadd.s32 $0xFFFFEC00  }
0x36: {  	_ =	swait.ge [sflag:s19], $0x4000  }
0x37: {  	[sflag:s19] =	ssyncset.done $0x0  }
0x38: {  	[sflag:s19] =	ssyncadd.s32 $0xFFFFC000  }
0x39: {  	_ =	swait.ge [sflag:s19], $0x4000  }
0x3a: {  	[sflag:s19] =	ssyncset.done $0x0  }
0x3b: {  	[sflag:s19] =	ssyncadd.s32 $0xFFFFC000  }
0x3c: {  	_ =	swait.ge [sflag:s19], $0x4000  }
0x3d: {  	[sflag:s19] =	ssyncset.done $0x0  }
0x3e: {  	[sflag:s19] =	ssyncadd.s32 $0xFFFFC000  }
0x3f: {  	_ =	swait.ge [sflag:s19], $0x4000  }
0x40: {  	[sflag:s19] =	ssyncset.done $0x0  }
0x41: {  	[sflag:s19] =	ssyncadd.s32 $0xFFFFC000  }
0x42: {  	_ =	swait.ge [sflag:s19], $0x4000  }
0x43: {  	[sflag:s19] =	ssyncset.done $0x0  }
0x44: {  	[sflag:s19] =	ssyncadd.s32 $0xFFFFC000  }
0x45: {  	[bflag:$0x0] =	sbarrier.arrive $0xFFFF  }
0x46: {  	[tilespmem:s16], [sflag:$0x1] =	stream.indirect.gather [hbm4b:s1+s20], $0x80, s28, s20, $0xb8;
	[tilespmem:$0x1E800] =	vst v63  }
0x47: {  	s28 =	simm.s32 $0x80  }
0x48: {  	[tilespmem:s21], [sflag:$0x2] =	stream.indirect.gather [hbm4b:s1+s20], $0x80, s28, s20, $0xb8;
	[tilespmem:$0x1E800] =	vst v63  }
0x49: {  	_ =	swait.ge [sflag:s19], $0x4000  }
0x4a: {  	[sflag:s19] =	ssyncset.done $0x0  }
0x4b: {  	s28 =	simm.s32 $0x1400;
	[sflag:s19] =	ssyncadd.s32 $0xFFFFC000  }
0x4c: {  	[spmem:s2] =	stream.indirect.scatter.add.f32 [tilespmem:s16], [sflag:$0x3], $0x80, s28, s20, $0xb8;
	[tilespmem:$0x1E800] =	vst v63  }
0x4d: {  	_ =	swait.ge [sflag:s17], $0x4000  }
0x4e: {  	[sflag:s17] =	ssyncset.done $0x0  }
0x4f: {  	s28 =	simm.s32 $0x100;
	[sflag:s17] =	ssyncadd.s32 $0xFFFFC000  }
0x50: {  	[tilespmem:s16], [sflag:$0x1] =	stream.indirect.gather [hbm4b:s1+s20], $0x80, s28, s20, $0xb8;
	[tilespmem:$0x1E800] =	vst v63  }
0x51: {  	_ =	swait.ge [sflag:s22], $0x4000  }
0x52: {  	[sflag:s22] =	ssyncset.done $0x0  }
0x53: {  	s28 =	simm.s32 $0x1480;
	[sflag:s22] =	ssyncadd.s32 $0xFFFFC000  }
0x54: {  	[spmem:s2] =	stream.indirect.scatter.add.f32 [tilespmem:s21], [sflag:$0x3], $0x80, s28, s20, $0xb8;
	[tilespmem:$0x1E800] =	vst v63  }
0x55: {  	_ =	swait.ge [sflag:s17], $0x4000  }
0x56: {  	s29 =	simm.s32 $0x800;
	s28 =	simm.s32 $0x100;
	[sflag:s17] =	ssyncset.done $0x0  }
.LBB2_4:
0x57: {  	s30 =	sadd.s32 $0x80, s28  }
0x58: {  	[sflag:s17] =	ssyncadd.s32 $0xFFFFC000;
	s31 =	smov.u32 s29;
	s0 =	sadd.s32 $0x400, s29  }
0x59: {  	[tilespmem:s21], [sflag:$0x2] =	stream.indirect.gather [hbm4b:s1+s20], $0x80, s30, s20, $0xb8;
	[tilespmem:$0x1E800] =	vst v63  }
0x5a: {  	p0 =	sne.s32 s29, $0x4800;
	_ =	swait.ge [sflag:s19], $0x4000  }
0x5b: {  	[sflag:s19] =	ssyncset.done $0x0  }
0x5c: {  	s29 =	sadd.s32 $0x1400, s28;
	[sflag:s19] =	ssyncadd.s32 $0xFFFFC000  }
0x5d: {  	[spmem:s2] =	stream.indirect.scatter.add.f32 [tilespmem:s16], [sflag:$0x3], $0x80, s29, s20, $0xb8;
	[tilespmem:$0x1E800] =	vst v63  }
0x5e: {  	_ =	swait.ge [sflag:s17], $0x4000  }
0x5f: {  	[sflag:s17] =	ssyncset.done $0x0  }
0x60: {  	s29 =	sadd.s32 $0x100, s28;
	[sflag:s17] =	ssyncadd.s32 $0xFFFFC000  }
0x61: {  	[tilespmem:s16], [sflag:$0x1] =	stream.indirect.gather [hbm4b:s1+s20], $0x80, s29, s20, $0xb8;
	[tilespmem:$0x1E800] =	vst v63  }
0x62: {  	_ =	swait.ge [sflag:s22], $0x4000  }
.Ltmp1:
0x63: {  	[sflag:s22] =	ssyncset.done $0x0;
	(pc) =	sbr.rel @p0 .LBB2_4-.Ltmp1, $4  }
0x64: {  	s28 =	sadd.s32 $0x1480, s28;
	[sflag:s22] =	ssyncadd.s32 $0xFFFFC000  }
0x65: {  	[spmem:s2] =	stream.indirect.scatter.add.f32 [tilespmem:s21], [sflag:$0x3], $0x80, s28, s20, $0xb8;
	[tilespmem:$0x1E800] =	vst v63  }
0x66: {  	_ =	swait.ge [sflag:s17], $0x4000  }
0x67: {  	s29 =	smov.u32 s0;
	s28 =	sshra.s32 s31, $0x2;
	[sflag:s17] =	ssyncset.done $0x0  }
0x68: {  	s0 =	sadd.s32 $0x80, s28;
	[sflag:s17] =	ssyncadd.s32 $0xFFFFC000  }
0x69: {  	[tilespmem:s21], [sflag:$0x2] =	stream.indirect.gather [hbm4b:s1+s20], $0x80, s0, s20, $0xb8;
	[tilespmem:$0x1E800] =	vst v63  }
0x6a: {  	_ =	swait.ge [sflag:s19], $0x4000  }
0x6b: {  	[sflag:s19] =	ssyncset.done $0x0  }
0x6c: {  	s30 =	sadd.s32 $0x1400, s28;
	[sflag:s19] =	ssyncadd.s32 $0xFFFFC000  }
0x6d: {  	[spmem:s2] =	stream.indirect.scatter.add.f32 [tilespmem:s16], [sflag:$0x3], $0x80, s30, s20, $0xb8;
	[tilespmem:$0x1E800] =	vst v63  }
0x6e: {  	_ =	swait.ge [sflag:s17], $0x4000  }
0x6f: {  	[sflag:s17] =	ssyncset.done $0x0  }
0x70: {  	s31 =	sadd.s32 $0x100, s28;
	[sflag:s17] =	ssyncadd.s32 $0xFFFFC000  }
0x71: {  	[tilespmem:s16], [sflag:$0x1] =	stream.indirect.gather [hbm4b:s1+s20], $0x80, s31, s20, $0xb8;
	[tilespmem:$0x1E800] =	vst v63  }
0x72: {  	_ =	swait.ge [sflag:s22], $0x4000  }
0x73: {  	[sflag:s22] =	ssyncset.done $0x0  }
0x74: {  	s30 =	sadd.s32 $0x1480, s28;
	[sflag:s22] =	ssyncadd.s32 $0xFFFFC000  }
0x75: {  	[spmem:s2] =	stream.indirect.scatter.add.f32 [tilespmem:s21], [sflag:$0x3], $0x80, s30, s20, $0xb8;
	[tilespmem:$0x1E800] =	vst v63  }
0x76: {  	_ =	swait.ge [sflag:s17], $0x4000  }
0x77: {  	[sflag:s17] =	ssyncset.done $0x0  }
0x78: {  	[sflag:s17] =	ssyncadd.s32 $0xFFFFC000  }
0x79: {  	[tilespmem:s21], [sflag:$0x2] =	stream.indirect.gather [hbm4b:s1+s20], $0x80, s23, s20, $0xb8;
	[tilespmem:$0x1E800] =	vst v63  }
0x7a: {  	_ =	swait.ge [sflag:s19], $0x4000  }
0x7b: {  	[sflag:s19] =	ssyncset.done $0x0  }
0x7c: {  	[sflag:s19] =	ssyncadd.s32 $0xFFFFC000  }
0x7d: {  	[spmem:s2] =	stream.indirect.scatter.add.f32 [tilespmem:s16], [sflag:$0x3], $0x80, s24, s20, $0xb8;
	[tilespmem:$0x1E800] =	vst v63  }
0x7e: {  	_ =	swait.ge [sflag:s17], $0x4000  }
0x7f: {  	[sflag:s17] =	ssyncset.done $0x0  }
0x80: {  	[sflag:s17] =	ssyncadd.s32 $0xFFFFC000  }
0x81: {  	_ =	swait.ge [sflag:s22], $0x4000  }
0x82: {  	[sflag:s22] =	ssyncset.done $0x0  }
0x83: {  	[sflag:s22] =	ssyncadd.s32 $0xFFFFC000  }
0x84: {  	[spmem:s2] =	stream.indirect.scatter.add.f32 [tilespmem:s21], [sflag:$0x3], $0x80, s26, s20, $0xb8;
	[tilespmem:$0x1E800] =	vst v63  }
0x85: {  	_ =	swait.ge [sflag:s17], $0x4000  }
0x86: {  	[sflag:s17] =	ssyncset.done $0x0  }
0x87: {  	s31 =	simm.s32 $0x0;
	[sflag:s17] =	ssyncadd.s32 $0xFFFFC000  }
0x88: {  	[tilespmem:s31], [sflag:$0x3] =	stream.linear.gather [hbm4b:s8+s31], $0x1400, $0x38;
	[tilespmem:$0x1E800] =	vst v63  }
0x89: {  	_ =	swait.ge [sflag:s17], $0x1400  }
0x8a: {  	[sflag:s17] =	ssyncset.done $0x0  }
0x8b: {  	[sflag:s17] =	ssyncadd.s32 $0xFFFFEC00  }
0x8c: {  	[tilespmem:s18], [sflag:$0x3] =	stream.linear.gather [hbm4b:s9+s31], $0x1400, $0x38;
	[tilespmem:$0x1E800] =	vst v63  }
0x8d: {  	_ =	swait.ge [sflag:s17], $0x1400  }
0x8e: {  	[sflag:s17] =	ssyncset.done $0x0  }
0x8f: {  	[sflag:s17] =	ssyncadd.s32 $0xFFFFEC00  }
0x90: {  	[tilespmem:s16], [sflag:$0x1] =	stream.indirect.gather [hbm4b:s1+s20], $0x80, s31, s20, $0xb8;
	[tilespmem:$0x1E800] =	vst v63  }
0x91: {  	s30 =	simm.s32 $0x80  }
0x92: {  	[tilespmem:s21], [sflag:$0x2] =	stream.indirect.gather [hbm4b:s1+s20], $0x80, s30, s20, $0xb8;
	[tilespmem:$0x1E800] =	vst v63  }
0x93: {  	_ =	swait.ge [sflag:s19], $0x4000  }
0x94: {  	[sflag:s19] =	ssyncset.done $0x0  }
0x95: {  	s31 =	simm.s32 $0x1400;
	[sflag:s19] =	ssyncadd.s32 $0xFFFFC000  }
0x96: {  	[spmem:s2] =	stream.indirect.scatter.add.f32 [tilespmem:s16], [sflag:$0x3], $0x80, s31, s20, $0xb8;
	[tilespmem:$0x1E800] =	vst v63  }
0x97: {  	_ =	swait.ge [sflag:s17], $0x4000  }
0x98: {  	[sflag:s17] =	ssyncset.done $0x0  }
0x99: {  	s30 =	simm.s32 $0x100;
	[sflag:s17] =	ssyncadd.s32 $0xFFFFC000  }
0x9a: {  	[tilespmem:s16], [sflag:$0x1] =	stream.indirect.gather [hbm4b:s1+s20], $0x80, s30, s20, $0xb8;
	[tilespmem:$0x1E800] =	vst v63  }
0x9b: {  	_ =	swait.ge [sflag:s22], $0x4000  }
0x9c: {  	[sflag:s22] =	ssyncset.done $0x0  }
0x9d: {  	s31 =	simm.s32 $0x1480;
	[sflag:s22] =	ssyncadd.s32 $0xFFFFC000  }
0x9e: {  	[spmem:s2] =	stream.indirect.scatter.add.f32 [tilespmem:s21], [sflag:$0x3], $0x80, s31, s20, $0xb8;
	[tilespmem:$0x1E800] =	vst v63  }
0x9f: {  	_ =	swait.ge [sflag:s17], $0x4000  }
0xa0: {  	s29 =	simm.s32 $0x800;
	s28 =	simm.s32 $0x100;
	[sflag:s17] =	ssyncset.done $0x0  }
.LBB2_6:
0xa1: {  	s0 =	sadd.s32 $0x80, s28  }
0xa2: {  	[sflag:s17] =	ssyncadd.s32 $0xFFFFC000;
	s30 =	smov.u32 s29;
	s31 =	sadd.s32 $0x400, s29  }
0xa3: {  	[tilespmem:s21], [sflag:$0x2] =	stream.indirect.gather [hbm4b:s1+s20], $0x80, s0, s20, $0xb8;
	[tilespmem:$0x1E800] =	vst v63  }
0xa4: {  	p0 =	sne.s32 s29, $0x4800;
	_ =	swait.ge [sflag:s19], $0x4000  }
0xa5: {  	[sflag:s19] =	ssyncset.done $0x0  }
0xa6: {  	s0 =	sadd.s32 $0x1400, s28;
	[sflag:s19] =	ssyncadd.s32 $0xFFFFC000  }
0xa7: {  	[spmem:s2] =	stream.indirect.scatter.add.f32 [tilespmem:s16], [sflag:$0x3], $0x80, s0, s20, $0xb8;
	[tilespmem:$0x1E800] =	vst v63  }
0xa8: {  	_ =	swait.ge [sflag:s17], $0x4000  }
0xa9: {  	[sflag:s17] =	ssyncset.done $0x0  }
0xaa: {  	s0 =	sadd.s32 $0x100, s28;
	[sflag:s17] =	ssyncadd.s32 $0xFFFFC000  }
0xab: {  	[tilespmem:s16], [sflag:$0x1] =	stream.indirect.gather [hbm4b:s1+s20], $0x80, s0, s20, $0xb8;
	[tilespmem:$0x1E800] =	vst v63  }
0xac: {  	_ =	swait.ge [sflag:s22], $0x4000  }
.Ltmp2:
0xad: {  	[sflag:s22] =	ssyncset.done $0x0;
	(pc) =	sbr.rel @p0 .LBB2_6-.Ltmp2, $4  }
0xae: {  	s0 =	sadd.s32 $0x1480, s28;
	[sflag:s22] =	ssyncadd.s32 $0xFFFFC000  }
0xaf: {  	[spmem:s2] =	stream.indirect.scatter.add.f32 [tilespmem:s21], [sflag:$0x3], $0x80, s0, s20, $0xb8;
	[tilespmem:$0x1E800] =	vst v63  }
0xb0: {  	_ =	swait.ge [sflag:s17], $0x4000  }
0xb1: {  	s29 =	smov.u32 s31;
	s28 =	sshra.s32 s30, $0x2;
	[sflag:s17] =	ssyncset.done $0x0  }
0xb2: {  	s0 =	sadd.s32 $0x80, s28;
	[sflag:s17] =	ssyncadd.s32 $0xFFFFC000  }
0xb3: {  	[tilespmem:s21], [sflag:$0x2] =	stream.indirect.gather [hbm4b:s1+s20], $0x80, s0, s20, $0xb8;
	[tilespmem:$0x1E800] =	vst v63  }
0xb4: {  	_ =	swait.ge [sflag:s19], $0x4000  }
0xb5: {  	[sflag:s19] =	ssyncset.done $0x0  }
0xb6: {  	s31 =	sadd.s32 $0x1400, s28;
	[sflag:s19] =	ssyncadd.s32 $0xFFFFC000  }
0xb7: {  	[spmem:s2] =	stream.indirect.scatter.add.f32 [tilespmem:s16], [sflag:$0x3], $0x80, s31, s20, $0xb8;
	[tilespmem:$0x1E800] =	vst v63  }
0xb8: {  	_ =	swait.ge [sflag:s17], $0x4000  }
0xb9: {  	[sflag:s17] =	ssyncset.done $0x0  }
0xba: {  	s29 =	sadd.s32 $0x100, s28;
	[sflag:s17] =	ssyncadd.s32 $0xFFFFC000  }
0xbb: {  	[tilespmem:s16], [sflag:$0x1] =	stream.indirect.gather [hbm4b:s1+s20], $0x80, s29, s20, $0xb8;
	[tilespmem:$0x1E800] =	vst v63  }
0xbc: {  	_ =	swait.ge [sflag:s22], $0x4000  }
0xbd: {  	[sflag:s22] =	ssyncset.done $0x0  }
0xbe: {  	s30 =	sadd.s32 $0x1480, s28;
	[sflag:s22] =	ssyncadd.s32 $0xFFFFC000  }
0xbf: {  	[spmem:s2] =	stream.indirect.scatter.add.f32 [tilespmem:s21], [sflag:$0x3], $0x80, s30, s20, $0xb8;
	[tilespmem:$0x1E800] =	vst v63  }
0xc0: {  	_ =	swait.ge [sflag:s17], $0x4000  }
0xc1: {  	[sflag:s17] =	ssyncset.done $0x0  }
0xc2: {  	[sflag:s17] =	ssyncadd.s32 $0xFFFFC000  }
0xc3: {  	[tilespmem:s21], [sflag:$0x2] =	stream.indirect.gather [hbm4b:s1+s20], $0x80, s23, s20, $0xb8;
	[tilespmem:$0x1E800] =	vst v63  }
0xc4: {  	_ =	swait.ge [sflag:s19], $0x4000  }
0xc5: {  	[sflag:s19] =	ssyncset.done $0x0  }
0xc6: {  	[sflag:s19] =	ssyncadd.s32 $0xFFFFC000  }
0xc7: {  	[spmem:s2] =	stream.indirect.scatter.add.f32 [tilespmem:s16], [sflag:$0x3], $0x80, s24, s20, $0xb8;
	[tilespmem:$0x1E800] =	vst v63  }
0xc8: {  	_ =	swait.ge [sflag:s17], $0x4000  }
0xc9: {  	[sflag:s17] =	ssyncset.done $0x0  }
0xca: {  	[sflag:s17] =	ssyncadd.s32 $0xFFFFC000  }
0xcb: {  	_ =	swait.ge [sflag:s22], $0x4000  }
0xcc: {  	[sflag:s22] =	ssyncset.done $0x0  }
0xcd: {  	[sflag:s22] =	ssyncadd.s32 $0xFFFFC000  }
0xce: {  	[spmem:s2] =	stream.indirect.scatter.add.f32 [tilespmem:s21], [sflag:$0x3], $0x80, s26, s20, $0xb8;
	[tilespmem:$0x1E800] =	vst v63  }
0xcf: {  	_ =	swait.ge [sflag:s17], $0x4000  }
0xd0: {  	s4 =	sadd.s32 $0x1, s4;
	[sflag:s17] =	ssyncset.done $0x0  }
0xd1: {  	p0 =	sne.s32 s4, s11;
	s31 =	sshll.u32 s3, $0x6;
	[sflag:s17] =	ssyncadd.s32 $0xFFFFC000  }
.Ltmp3:
0xd2: {  	s0 =	sor.u32 $0x1C03, s31;
	[bflag:$0x0] =	sbarrier.arrive $0xFFFF;
	(pc) =	sbr.rel @p0 .LBB2_1-.Ltmp3, $4  }
0xd3: {  	[hbm:s10], [sflag:s0] =	dma.local [spmem:s25], $0x2800  }
0xd4: {  	_ =	swait.ge [sflag:s17], $0x2800  }
0xd5: {  	[sflag:s17] =	ssyncset.done $0x0  }
0xd6: {  	[sflag:s17] =	ssyncadd.s32 $0xFFFFD800  }
0xd7: {  	_ =	sfence.sel $0x180000  }
0xd8: {  	[bflag:$0x0] =	sbarrier.arrive $0xFFFF  }
0xd9: {  	_ =	strace $0x9000004A  }
0xda: {  	[bflag:$0x2] =	sbarrier.arrive $0xFFFF  }
0xdb: {  	p0 =	sne.s32 s3, $0x0;
	s0 =	rddreg [dreg:$0x3]  }
0xdc: {  	s0 =	sadd.s32 @!p0 $0x100000, s0  }
0xdd: {  	[sflag:s0] =	ssyncadd.tile.s32 @!p0 $0x1;
	_ =	shalt  }
.Lfunc_end2:
_tile_overlayer_lowered:
.L_overlay_start_2:
0xde: {  	(tag) =	ssettag $0x2  }
0xdf: {  	s0 =	rddreg [dreg:$0x0];
	s2 =	stileid.u32  }
0xe0: {  	s1 =	rddreg [dreg:$0x1];
	p0 =	sne.s32 s2, $0x0  }
0xe1: {  	s3 =	rddreg [dreg:$0x2];
	[bflag:$0x3] =	sbarrier.arrive $0xFFFF;
	s2 =	simm.s32 @!p0 $0x1C03  }
0xe2: {  	[timem:s3], [sflag:s2] =	dma.local @!p0 [hbm:s0], s1  }
0xe3: {  	s0 =	simm.s32 @!p0 $0x3  }
0xe4: {  	_ =	swait.ge @!p0 [sflag:s0], s1  }
0xe5: {  	s1 =	ssub.s32 @!p0 $0x0, s1;
	[sflag:s0] =	ssyncset.done @!p0 $0x0  }
0xe6: {  	[sflag:s0] =	ssyncadd.s32 @!p0 s1  }
0xe7: {  	[bflag:$0x3] =	sbarrier.arrive $0xFFFF  }
0xe8: {  	_ =	shalt  }

// kernel: kernel.14.cloned.1.call-start
scs
__scs_entry_jumppad:
0x0: {  	(pc) =	sbr.rel $0x88, $3  }
0x1: {  	(tag) =	ssettag $0x0;
	lr =	simm.s32 $0x1  }
0x2: {  	[smem:$0x3F9B] =	sst lr;
	_ =	strace $0xD0000000  }
0x3: {  	_ = 	snop  }
0x4: {  	_ = 	snop  }
0x5: {  	_ = 	snop  }
0x6: {  	_ = 	snop  }
0x7: {  	_ = 	snop  }
__scs_overlays_trampoline_lowered:
0x8: {  	[smem:$0x3FAA] =	sst s0  }
0x9: {  	[smem:$0x3FAB] =	sst s1  }
0xa: {  	[smem:$0x3FAC] =	sst s2  }
0xb: {  	[smem:$0x3FAD] =	sst s3  }
0xc: {  	[smem:$0x3FAE] =	sst s4  }
0xd: {  	[smem:$0x3FAF] =	sst s5  }
0xe: {  	[smem:$0x3FB0] =	sst s6  }
0xf: {  	[smem:$0x3FB1] =	sst s7  }
0x10: {  	[smem:$0x3FB2] =	sst s8  }
0x11: {  	[smem:$0x3FB3] =	sst s9;
	s0 =	simm.s32 @!p0 $0x0  }
0x12: {  	s1 =	sld [smem:$0x3F99];
	s0 =	simm.s32 @p0 $0x1  }
0x13: {  	[smem:$0x3FB4] =	sst s0;
	s0 =	simm.s32 @!p1 $0x0  }
0x14: {  	s2 =	sld [smem:$0x3F98];
	s0 =	simm.s32 @p1 $0x1  }
0x15: {  	[smem:$0x3FB5] =	sst s0;
	s0 =	simm.s32 @!p2 $0x0  }
0x16: {  	s3 =	sld [smem:$0x3FDB];
	s0 =	simm.s32 @p2 $0x1  }
0x17: {  	s4 =	simm.s32 $0x1BF5;
	[smem:$0x3FB7] =	sst s0  }
0x18: {  	s0 =	sld [smem:$0x3F9A];
	_ =	swait.ge [sflag:s4], $0x0  }
0x19: {  	s7 =	sld [smem:$0x3F9B]  }
0x1a: {  	s8 =	sadd.s32 $0xFFFFE003, lr  }
0x1b: {  	s9 =	sadd.s32 $0xFFFFFEF7, lr;
	s5 =	simm.s32 $0xFFFFFFFF;
	p2 =	slt.u32 s8, $0xFFFFF086  }
0x1c: {  	p1 =	slt.u32 s9, $0xF7A;
	s5 =	simm.s32 @!p2 $0x0  }
0x1d: {  	s5 =	simm.s32 @p1 $0x1;
	p0 =	seq.s32 s7, s2  }
0x1e: {  	s7 =	smul.u32 @!p0 $0xF7A, s2;
	p2 =	seq.s32 @!p0 s5, $0x0  }
0x1f: {  	s9 =	smul.u32 $0xF7A, s1;
	s8 =	simm.s32 @!p0 $0x1BF5;
	p2 =	por !p2, p0  }
0x20: {  	[sflag:s8] =	ssyncset.s32 @!p0 $0xFFFFF086;
	s6 =	sadd.s32 @!p0 s3, s7;
	s7 =	simm.s32 @!p0 $0x108  }
0x21: {  	s3 =	sadd.s32 s3, s9;
	s6 =	sadd.s32 @!p0 $0x88, s6;
	s7 =	simm.s32 @p2 $0x1082  }
0x22: {  	[simem:s7], [sflag:s8] =	dma.local @!p0 [hbm:s6], $0xF7A  }
0x23: {  	s9 =	sor.u32 $0xD0000000, s2;
	s6 =	simm.s32 $0x108;
	_ =	swait.ge @!p0 [sflag:s8], $0x0  }
0x24: {  	s3 =	sadd.s32 $0x88, s3;
	s6 =	simm.s32 @!p1 $0x1082;
	[sflag:s4] =	ssyncset.s32 $0xFFFFF086  }
0x25: {  	[simem:s6], [sflag:s4] =	dma.local [hbm:s3], $0xF7A  }
0x26: {  	[smem:$0x3F9B] =	sst s1;
	(tag) =	ssettag s2;
	_ =	strace s9  }
0x27: {  	s1 =	sld [smem:$0x3FAB]  }
0x28: {  	s2 =	sld [smem:$0x3FAC]  }
0x29: {  	s4 =	sld [smem:$0x3FAE]  }
0x2a: {  	p0 =	seq.s32 s5, $0x0;
	s5 =	sld [smem:$0x3FAF]  }
0x2b: {  	s6 =	sld [smem:$0x3FB0]  }
0x2c: {  	s7 =	sld [smem:$0x3FB1]  }
0x2d: {  	s3 =	simm.s32 $0x108;
	s8 =	sld [smem:$0x3FB2]  }
0x2e: {  	s3 =	simm.s32 @!p0 $0x1082;
	s9 =	sld [smem:$0x3FB3]  }
0x2f: {  	lr =	sadd.s32 s0, s3;
	s0 =	sld [smem:$0x3FAA]  }
0x30: {  	s3 =	sld [smem:$0x3FAD]  }
0x31: {  	[smem:$0x3FB6] =	sst s10  }
0x32: {  	s10 =	sld [smem:$0x3FB4];
	_ =	sdelay $0x3  }
0x33: {  	p0 =	seq.s32 s10, $0x1;
	s10 =	sld [smem:$0x3FB6];
	_ =	sdelay $0x3  }
0x34: {  	[smem:$0x3FB6] =	sst s10  }
0x35: {  	s10 =	sld [smem:$0x3FB5];
	_ =	sdelay $0x3  }
0x36: {  	p1 =	seq.s32 s10, $0x1;
	s10 =	sld [smem:$0x3FB6];
	_ =	sdelay $0x3  }
0x37: {  	[smem:$0x3FB6] =	sst s10  }
0x38: {  	s10 =	sld [smem:$0x3FB7]  }
0x39: {  	_ = 	snop;
	(pc) =	sbr.ind lr, $3  }
0x3a: {  	_ = 	snop  }
0x3b: {  	_ = 	snop  }
0x3c: {  	p2 =	seq.s32 s10, $0x1;
	s10 =	sld [smem:$0x3FB6]  }
0x3d: {  	_ =	shalt  }
0x3e: {  	_ =	shalt  }
0x3f: {  	_ =	shalt  }
0x40: {  	_ =	shalt  }
0x41: {  	_ =	shalt  }
0x42: {  	_ =	shalt  }
0x43: {  	_ =	shalt  }
0x44: {  	_ =	shalt  }
0x45: {  	_ =	shalt  }
0x46: {  	_ =	shalt  }
0x47: {  	_ =	shalt  }
0x48: {  	_ =	shalt  }
0x49: {  	_ =	shalt  }
0x4a: {  	_ =	shalt  }
0x4b: {  	_ =	shalt  }
0x4c: {  	_ =	shalt  }
0x4d: {  	_ =	shalt  }
0x4e: {  	_ =	shalt  }
0x4f: {  	_ =	shalt  }
0x50: {  	_ =	shalt  }
0x51: {  	_ =	shalt  }
0x52: {  	_ =	shalt  }
0x53: {  	_ =	shalt  }
0x54: {  	_ =	shalt  }
0x55: {  	_ =	shalt  }
0x56: {  	_ =	shalt  }
0x57: {  	_ =	shalt  }
0x58: {  	_ =	shalt  }
0x59: {  	_ =	shalt  }
0x5a: {  	_ =	shalt  }
0x5b: {  	_ =	shalt  }
0x5c: {  	_ =	shalt  }
0x5d: {  	_ =	shalt  }
0x5e: {  	_ =	shalt  }
0x5f: {  	_ =	shalt  }
0x60: {  	_ =	shalt  }
0x61: {  	_ =	shalt  }
0x62: {  	_ =	shalt  }
0x63: {  	_ =	shalt  }
0x64: {  	_ =	shalt  }
0x65: {  	_ =	shalt  }
0x66: {  	_ =	shalt  }
0x67: {  	_ =	shalt  }
0x68: {  	_ =	shalt  }
0x69: {  	_ =	shalt  }
0x6a: {  	_ =	shalt  }
0x6b: {  	_ =	shalt  }
0x6c: {  	_ =	shalt  }
0x6d: {  	_ =	shalt  }
0x6e: {  	_ =	shalt  }
0x6f: {  	_ =	shalt  }
0x70: {  	_ =	shalt  }
0x71: {  	_ =	shalt  }
0x72: {  	_ =	shalt  }
0x73: {  	_ =	shalt  }
0x74: {  	_ =	shalt  }
0x75: {  	_ =	shalt  }
0x76: {  	_ =	shalt  }
0x77: {  	_ =	shalt  }
0x78: {  	_ =	shalt  }
0x79: {  	_ =	shalt  }
0x7a: {  	_ =	shalt  }
0x7b: {  	_ =	shalt  }
0x7c: {  	_ =	shalt  }
0x7d: {  	_ =	shalt  }
0x7e: {  	_ =	shalt  }
0x7f: {  	_ =	shalt  }
0x80: {  	_ =	shalt  }
0x81: {  	_ =	shalt  }
0x82: {  	_ =	shalt  }
0x83: {  	_ =	shalt  }
0x84: {  	_ =	shalt  }
0x85: {  	_ =	shalt  }
0x86: {  	_ =	shalt  }
0x87: {  	_ =	shalt  }
.Lfunc_end0:
.L_simem_size_0:
called_computation.2_lowered:
.L_overlay_start_0:
0x88: {  	s2 =	sld [smem:$0x3FD9]  }
0x89: {  	s3 =	sld [smem:$0x3FFE];
	_ =	sdelay $0x1  }
0x8a: {  	s1 =	srdreg.scid  }
0x8b: {  	s0 =	sand.u32 $0x1, s1  }
0x8c: {  	s17 =	sshll.u32 s0, $0xA;
	s2 =	sadd.s32 s3, s2  }
0x8d: {  	s2 =	sadd.s32 s2, s17  }
0x8e: {  	[smem:$0x3FC2] =	sst s2  }
0x8f: {  	_ = 	snop  }
0x90: {  	s2 =	sld [smem:$0x3FD0];
	(tm) =	ssettm $0x1  }
0x91: {  	s18 =	sld [smem:$0x3FFB];
	_ =	sdelay $0x3  }
0x92: {  	_ =	strace s18  }
0x93: {  	s3 =	sld [smem:$0x3FFC];
	_ =	sdelay $0x3  }
0x94: {  	_ =	strace s3  }
0x95: {  	s3 =	sld [smem:$0x3FFD];
	_ =	sdelay $0x3  }
0x96: {  	_ =	strace s3  }
0x97: {  	_ =	strace $0x8FFFFFFF  }
0x98: {  	s19 =	sld [smem:$0x3FDB];
	_ =	sdelay $0x1  }
0x99: {  	s4 =	simm.s32 $_scs_section_size  }
0x9a: {  	s5 =	simm.s32 $_size__tile_overlayer_lowered;
	s6 =	simm.s32 $_tile_overlayer_lowered  }
0x9b: {  	s22 =	simm.s32 $0x1BFF;
	s21 =	sshll.u32 s6, $0x1;
	s3 =	sadd.s32 s4, s19  }
0x9c: {  	s7 =	simm.s32 $0x0;
	s20 =	sshll.u32 s5, $0x1;
	s5 =	sadd.s32 s21, s3  }
0x9d: {  	[timem:s7], [sflag:s22] =	dma.local [hbm:s5], s20  }
0x9e: {  	_ =	swait.ge [sflag:s22], s20  }
0x9f: {  	s4 =	ssub.s32 $0x0, s20;
	[sflag:s22] =	ssyncset.done $0x0  }
0xa0: {  	[sflag:s22] =	ssyncadd.s32 s4;
	_ =	sdelay $0x1  }
0xa1: {  	s23 =	simm.s32 $0x1B8B  }
0xa2: {  	_ =	swait.ge [sflag:s23], $0x1  }
0xa3: {  	[sflag:s23] =	ssyncset.done $0x0  }
0xa4: {  	s25 =	simm.s32 $0x1B8E;
	s24 =	sld [smem:$0x3FFE];
	[sflag:s23] =	ssyncadd.s32 $0xFFFFFFFF  }
0xa5: {  	s26 =	simm.s32 $execute0_lowered;
	[smem:$0x3FD2] =	sst s25  }
0xa6: {  	s5 =	sshll.u32 s26, $0x1;
	_ =	strace $0x8000004C;
	[dreg:$0x1] =	wrdreg $0xFFFFFFFF  }
0xa7: {  	s28 =	simm.s32 $_size_execute0_lowered;
	s3 =	sadd.s32 s3, s5;
	[dreg:$0x0] =	wrdreg $0x0  }
0xa8: {  	s5 =	sshll.u32 s28, $0x1;
	[dreg:$0x2] =	wrdreg s3  }
0xa9: {  	[dreg:$0x3] =	wrdreg s5  }
0xaa: {  	[dreg:$0x4] =	wrdreg $0xC0  }
0xab: {  	_ =	task [dreg:s7], $0x5FFFF  }
0xac: {  	[dreg:$0x1] =	wrdreg $0xFFFFFFFF  }
0xad: {  	[dreg:$0x0] =	wrdreg $0x60  }
0xae: {  	[dreg:$0x2] =	wrdreg s2  }
0xaf: {  	[dreg:$0x3] =	wrdreg s24  }
0xb0: {  	[dreg:$0x4] =	wrdreg $0xA8000  }
0xb1: {  	[dreg:$0x5] =	wrdreg $0x9  }
0xb2: {  	_ =	task.clear_ibuf [dreg:s7], $0x6FFFF;
	_ =	strace $0x9000004C  }
0xb3: {  	s29 =	simm.s32 $0x9;
	_ =	strace $0x8000004E  }
0xb4: {  	_ =	swait.ge [sflag:s29], $0x1  }
0xb5: {  	[sflag:s29] =	ssyncadd.s32 $0xFFFFFFFF  }
0xb6: {  	_ =	strace $0x9000004E  }
0xb7: {  	_ =	sfence  }
0xb8: {  	s30 =	sld [smem:$0x0];
	_ =	sdelay $0x2  }
0xb9: {  	s31 =	sshll.u32 s1, $0xD;
	s1 =	sshrl.u32 s1, $0x2  }
0xba: {  	s3 =	sand.u32 $0x4000, s31;
	s1 =	sadd.s32 s1, s30  }
0xbb: {  	s0 =	sor.u32 s3, s0;
	s1 =	sshll.u32 s1, $0x11  }
0xbc: {  	s0 =	sor.u32 s1, s0  }
0xbd: {  	s0 =	sadd.s32 $0x8F2B, s0  }
0xbe: {  	[sflag:s0] =	ssyncadd.remote.s32 $0x1  }
0xbf: {  	_ =	sfence.sel $0xFFFF  }
0xc0: {  	[dreg:$0x0] =	wrdreg $0xFFFFFFFF;
	(pc) =	sbr.abs _section_cstart, $3  }
0xc1: {  	[dreg:$0x1] =	wrdreg $0xFFFFFFFF  }
0xc2: {  	_ =	task.clear_ibuf [dreg:s7], $0x2FFFF;
	_ =	strace $0x9FFFFFFF  }
0xc3: {  	(tm) =	ssettm $0x7FFFFFFF  }
tec
execute0_lowered:
.L_overlay_start_1:
0x0: {  	(tag) =	ssettag $0x1  }
0x1: {  	s1 =	rddreg [dreg:$0x0]  }
0x2: {  	s5 =	rddreg [dreg:$0x1]  }
0x3: {  	s2 =	rddreg [dreg:$0x2];
	s3 =	srdreg.scid;
	s4 =	simm.s32 $0x0  }
0x4: {  	s16 =	simm.s32 $0x2800;
	s17 =	simm.s32 $0x3;
	s18 =	simm.s32 $0x1400  }
0x5: {  	s19 =	simm.s32 $0x1;
	s20 =	simm.s32 $0x80;
	s21 =	simm.s32 $0x6800  }
0x6: {  	s22 =	simm.s32 $0x2;
	s23 =	simm.s32 $0x1380;
	s24 =	simm.s32 $0x2700  }
0x7: {  	s26 =	simm.s32 $0x2780;
	s6 =	sand.u32 $0x1, s3;
	s3 =	stileid.u32  }
0x8: {  	[smem:$0x7FF] =	sst s4;
	s8 =	sadd.s32 $0xCC00, s5;
	s7 =	smul.u32 $0x140000, s6  }
0x9: {  	s14 =	sadd.s32 $0x2C00, s5;
	s11 =	smul.u32 $0x14000, s3;
	_ =	strace $0x8000004D  }
0xa: {  	s9 =	sshll.u32 s6, $0x4;
	s6 =	ssub.s32 $0x2, s6;
	s10 =	smul.u32 $0x50000, s3  }
0xb: {  	s9 =	sor.u32 s3, s9;
	s12 =	sshrl.u32 s6, $0x1;
	s7 =	sadd.s32 s11, s7  }
0xc: {  	s13 =	smul.u32 $0x2800, s9;
	s12 =	ssub.s32 s6, s12;
	s29 =	sshrl.u32 s10, $0x2  }
0xd: {  	s9 =	smul.u32 $0x500, s9;
	s25 =	sadd.s32 s11, s2;
	s7 =	sshrl.u32 s7, $0x3  }
0xe: {  	s11 =	smax.u32 s12, $0x1;
	s25 =	sshrl.u32 s25, $0x3;
	s15 =	sadd.s32 s7, s5  }
0xf: {  	s30 =	sshrl.u32 s13, $0x3;
	s5 =	sadd.s32 s29, s2;
	s7 =	sadd.s32 s14, s9  }
0x10: {  	s6 =	sadd.s32 s8, s30;
	s31 =	sadd.s32 $0x280, s30;
	s10 =	sadd.s32 $0x16C00, s15  }
0x11: {  	s12 =	sadd.s32 $0x4000, s5;
	s13 =	sadd.s32 $0x8000, s5;
	s15 =	sadd.s32 $0x10000, s5  }
0x12: {  	v0 =	vimm.f32 $0.0e+00;
	s8 =	sadd.s32 s8, s31;
	s9 =	sadd.s32 s14, s31;
	s14 =	sadd.s32 $0xC000, s5  }
.LBB2_1:
0x13: {  	s28 =	simm.s32 $0x0;
	s29 =	simm.s32 $0x200  }
.LBB2_2:
0x14: {  	p0 =	sne.s32 s29, $0xFE00;
	[tilespmem:s28+$0x2870] =	vst v0  }
0x15: {  	[tilespmem:s28+$0x2800] =	vst v0  }
0x16: {  	[tilespmem:s28+$0x2810] =	vst v0  }
.Ltmp0:
0x17: {  	[tilespmem:s28+$0x2820] =	vst v0;
	(pc) =	sbr.rel @p0 .LBB2_2-.Ltmp0, $4  }
0x18: {  	[tilespmem:s28+$0x2830] =	vst v0  }
0x19: {  	[tilespmem:s28+$0x2840] =	vst v0  }
0x1a: {  	[tilespmem:s28+$0x2850] =	vst v0  }
0x1b: {  	[tilespmem:s28+$0x2860] =	vst v0;
	s28 =	sshra.s32 s29, $0x2;
	s29 =	sadd.s32 $0x200, s29  }
0x1c: {  	[tilespmem:s28+$0x2870] =	vst v0  }
0x1d: {  	[tilespmem:s28+$0x2800] =	vst v0  }
0x1e: {  	[tilespmem:s28+$0x2810] =	vst v0  }
0x1f: {  	[tilespmem:s28+$0x2820] =	vst v0  }
0x20: {  	[tilespmem:s28+$0x2830] =	vst v0  }
0x21: {  	[tilespmem:s28+$0x2840] =	vst v0  }
0x22: {  	[tilespmem:s28+$0x2850] =	vst v0  }
0x23: {  	[tilespmem:s28+$0x2860] =	vst v0  }
0x24: {  	[spmem:s5] =	stream.linear.scatter [tilespmem:s16], [sflag:$0x1], $0x4000, $0x38;
	[tilespmem:$0x1E800] =	vst v63  }
0x25: {  	_ = 	snop  }
0x26: {  	[spmem:s12] =	stream.linear.scatter [tilespmem:s16], [sflag:$0x1], $0x4000, $0x38;
	[tilespmem:$0x1E800] =	vst v63  }
0x27: {  	_ = 	snop  }
0x28: {  	[spmem:s13] =	stream.linear.scatter [tilespmem:s16], [sflag:$0x1], $0x4000, $0x38;
	[tilespmem:$0x1E800] =	vst v63  }
0x29: {  	_ = 	snop  }
0x2a: {  	[spmem:s14] =	stream.linear.scatter [tilespmem:s16], [sflag:$0x1], $0x4000, $0x38;
	[tilespmem:$0x1E800] =	vst v63  }
0x2b: {  	_ = 	snop  }
0x2c: {  	[spmem:s15] =	stream.linear.scatter [tilespmem:s16], [sflag:$0x1], $0x4000, $0x38;
	[tilespmem:$0x1E800] =	vst v63  }
0x2d: {  	s28 =	simm.s32 $0x0  }
0x2e: {  	[tilespmem:s28], [sflag:$0x3] =	stream.linear.gather [hbm4b:s6+s28], $0x1400, $0x38;
	[tilespmem:$0x1E800] =	vst v63  }
0x2f: {  	_ =	swait.ge [sflag:s17], $0x1400  }
0x30: {  	[sflag:s17] =	ssyncset.done $0x0  }
0x31: {  	[sflag:s17] =	ssyncadd.s32 $0xFFFFEC00  }
0x32: {  	[tilespmem:s18], [sflag:$0x3] =	stream.linear.gather [hbm4b:s7+s28], $0x1400, $0x38;
	[tilespmem:$0x1E800] =	vst v63  }
0x33: {  	_ =	swait.ge [sflag:s17], $0x1400  }
0x34: {  	[sflag:s17] =	ssyncset.done $0x0  }
0x35: {  	[sflag:s17] =	ssyncadd.s32 $0xFFFFEC00  }
0x36: {  	_ =	swait.ge [sflag:s19], $0x4000  }
0x37: {  	[sflag:s19] =	ssyncset.done $0x0  }
0x38: {  	[sflag:s19] =	ssyncadd.s32 $0xFFFFC000  }
0x39: {  	_ =	swait.ge [sflag:s19], $0x4000  }
0x3a: {  	[sflag:s19] =	ssyncset.done $0x0  }
0x3b: {  	[sflag:s19] =	ssyncadd.s32 $0xFFFFC000  }
0x3c: {  	_ =	swait.ge [sflag:s19], $0x4000  }
0x3d: {  	[sflag:s19] =	ssyncset.done $0x0  }
0x3e: {  	[sflag:s19] =	ssyncadd.s32 $0xFFFFC000  }
0x3f: {  	_ =	swait.ge [sflag:s19], $0x4000  }
0x40: {  	[sflag:s19] =	ssyncset.done $0x0  }
0x41: {  	[sflag:s19] =	ssyncadd.s32 $0xFFFFC000  }
0x42: {  	_ =	swait.ge [sflag:s19], $0x4000  }
0x43: {  	[sflag:s19] =	ssyncset.done $0x0  }
0x44: {  	[sflag:s19] =	ssyncadd.s32 $0xFFFFC000  }
0x45: {  	[bflag:$0x0] =	sbarrier.arrive $0xFFFF  }
0x46: {  	[tilespmem:s16], [sflag:$0x1] =	stream.indirect.gather [hbm4b:s1+s20], $0x80, s28, s20, $0xb8;
	[tilespmem:$0x1E800] =	vst v63  }
0x47: {  	s28 =	simm.s32 $0x80  }
0x48: {  	[tilespmem:s21], [sflag:$0x2] =	stream.indirect.gather [hbm4b:s1+s20], $0x80, s28, s20, $0xb8;
	[tilespmem:$0x1E800] =	vst v63  }
0x49: {  	_ =	swait.ge [sflag:s19], $0x4000  }
0x4a: {  	[sflag:s19] =	ssyncset.done $0x0  }
0x4b: {  	s28 =	simm.s32 $0x1400;
	[sflag:s19] =	ssyncadd.s32 $0xFFFFC000  }
0x4c: {  	[spmem:s2] =	stream.indirect.scatter.add.f32 [tilespmem:s16], [sflag:$0x3], $0x80, s28, s20, $0xb8;
	[tilespmem:$0x1E800] =	vst v63  }
0x4d: {  	_ =	swait.ge [sflag:s17], $0x4000  }
0x4e: {  	[sflag:s17] =	ssyncset.done $0x0  }
0x4f: {  	s28 =	simm.s32 $0x100;
	[sflag:s17] =	ssyncadd.s32 $0xFFFFC000  }
0x50: {  	[tilespmem:s16], [sflag:$0x1] =	stream.indirect.gather [hbm4b:s1+s20], $0x80, s28, s20, $0xb8;
	[tilespmem:$0x1E800] =	vst v63  }
0x51: {  	_ =	swait.ge [sflag:s22], $0x4000  }
0x52: {  	[sflag:s22] =	ssyncset.done $0x0  }
0x53: {  	s28 =	simm.s32 $0x1480;
	[sflag:s22] =	ssyncadd.s32 $0xFFFFC000  }
0x54: {  	[spmem:s2] =	stream.indirect.scatter.add.f32 [tilespmem:s21], [sflag:$0x3], $0x80, s28, s20, $0xb8;
	[tilespmem:$0x1E800] =	vst v63  }
0x55: {  	_ =	swait.ge [sflag:s17], $0x4000  }
0x56: {  	s29 =	simm.s32 $0x800;
	s28 =	simm.s32 $0x100;
	[sflag:s17] =	ssyncset.done $0x0  }
.LBB2_4:
0x57: {  	s30 =	sadd.s32 $0x80, s28  }
0x58: {  	[sflag:s17] =	ssyncadd.s32 $0xFFFFC000;
	s31 =	smov.u32 s29;
	s0 =	sadd.s32 $0x400, s29  }
0x59: {  	[tilespmem:s21], [sflag:$0x2] =	stream.indirect.gather [hbm4b:s1+s20], $0x80, s30, s20, $0xb8;
	[tilespmem:$0x1E800] =	vst v63  }
0x5a: {  	p0 =	sne.s32 s29, $0x4800;
	_ =	swait.ge [sflag:s19], $0x4000  }
0x5b: {  	[sflag:s19] =	ssyncset.done $0x0  }
0x5c: {  	s29 =	sadd.s32 $0x1400, s28;
	[sflag:s19] =	ssyncadd.s32 $0xFFFFC000  }
0x5d: {  	[spmem:s2] =	stream.indirect.scatter.add.f32 [tilespmem:s16], [sflag:$0x3], $0x80, s29, s20, $0xb8;
	[tilespmem:$0x1E800] =	vst v63  }
0x5e: {  	_ =	swait.ge [sflag:s17], $0x4000  }
0x5f: {  	[sflag:s17] =	ssyncset.done $0x0  }
0x60: {  	s29 =	sadd.s32 $0x100, s28;
	[sflag:s17] =	ssyncadd.s32 $0xFFFFC000  }
0x61: {  	[tilespmem:s16], [sflag:$0x1] =	stream.indirect.gather [hbm4b:s1+s20], $0x80, s29, s20, $0xb8;
	[tilespmem:$0x1E800] =	vst v63  }
0x62: {  	_ =	swait.ge [sflag:s22], $0x4000  }
.Ltmp1:
0x63: {  	[sflag:s22] =	ssyncset.done $0x0;
	(pc) =	sbr.rel @p0 .LBB2_4-.Ltmp1, $4  }
0x64: {  	s28 =	sadd.s32 $0x1480, s28;
	[sflag:s22] =	ssyncadd.s32 $0xFFFFC000  }
0x65: {  	[spmem:s2] =	stream.indirect.scatter.add.f32 [tilespmem:s21], [sflag:$0x3], $0x80, s28, s20, $0xb8;
	[tilespmem:$0x1E800] =	vst v63  }
0x66: {  	_ =	swait.ge [sflag:s17], $0x4000  }
0x67: {  	s29 =	smov.u32 s0;
	s28 =	sshra.s32 s31, $0x2;
	[sflag:s17] =	ssyncset.done $0x0  }
0x68: {  	s0 =	sadd.s32 $0x80, s28;
	[sflag:s17] =	ssyncadd.s32 $0xFFFFC000  }
0x69: {  	[tilespmem:s21], [sflag:$0x2] =	stream.indirect.gather [hbm4b:s1+s20], $0x80, s0, s20, $0xb8;
	[tilespmem:$0x1E800] =	vst v63  }
0x6a: {  	_ =	swait.ge [sflag:s19], $0x4000  }
0x6b: {  	[sflag:s19] =	ssyncset.done $0x0  }
0x6c: {  	s30 =	sadd.s32 $0x1400, s28;
	[sflag:s19] =	ssyncadd.s32 $0xFFFFC000  }
0x6d: {  	[spmem:s2] =	stream.indirect.scatter.add.f32 [tilespmem:s16], [sflag:$0x3], $0x80, s30, s20, $0xb8;
	[tilespmem:$0x1E800] =	vst v63  }
0x6e: {  	_ =	swait.ge [sflag:s17], $0x4000  }
0x6f: {  	[sflag:s17] =	ssyncset.done $0x0  }
0x70: {  	s31 =	sadd.s32 $0x100, s28;
	[sflag:s17] =	ssyncadd.s32 $0xFFFFC000  }
0x71: {  	[tilespmem:s16], [sflag:$0x1] =	stream.indirect.gather [hbm4b:s1+s20], $0x80, s31, s20, $0xb8;
	[tilespmem:$0x1E800] =	vst v63  }
0x72: {  	_ =	swait.ge [sflag:s22], $0x4000  }
0x73: {  	[sflag:s22] =	ssyncset.done $0x0  }
0x74: {  	s30 =	sadd.s32 $0x1480, s28;
	[sflag:s22] =	ssyncadd.s32 $0xFFFFC000  }
0x75: {  	[spmem:s2] =	stream.indirect.scatter.add.f32 [tilespmem:s21], [sflag:$0x3], $0x80, s30, s20, $0xb8;
	[tilespmem:$0x1E800] =	vst v63  }
0x76: {  	_ =	swait.ge [sflag:s17], $0x4000  }
0x77: {  	[sflag:s17] =	ssyncset.done $0x0  }
0x78: {  	[sflag:s17] =	ssyncadd.s32 $0xFFFFC000  }
0x79: {  	[tilespmem:s21], [sflag:$0x2] =	stream.indirect.gather [hbm4b:s1+s20], $0x80, s23, s20, $0xb8;
	[tilespmem:$0x1E800] =	vst v63  }
0x7a: {  	_ =	swait.ge [sflag:s19], $0x4000  }
0x7b: {  	[sflag:s19] =	ssyncset.done $0x0  }
0x7c: {  	[sflag:s19] =	ssyncadd.s32 $0xFFFFC000  }
0x7d: {  	[spmem:s2] =	stream.indirect.scatter.add.f32 [tilespmem:s16], [sflag:$0x3], $0x80, s24, s20, $0xb8;
	[tilespmem:$0x1E800] =	vst v63  }
0x7e: {  	_ =	swait.ge [sflag:s17], $0x4000  }
0x7f: {  	[sflag:s17] =	ssyncset.done $0x0  }
0x80: {  	[sflag:s17] =	ssyncadd.s32 $0xFFFFC000  }
0x81: {  	_ =	swait.ge [sflag:s22], $0x4000  }
0x82: {  	[sflag:s22] =	ssyncset.done $0x0  }
0x83: {  	[sflag:s22] =	ssyncadd.s32 $0xFFFFC000  }
0x84: {  	[spmem:s2] =	stream.indirect.scatter.add.f32 [tilespmem:s21], [sflag:$0x3], $0x80, s26, s20, $0xb8;
	[tilespmem:$0x1E800] =	vst v63  }
0x85: {  	_ =	swait.ge [sflag:s17], $0x4000  }
0x86: {  	[sflag:s17] =	ssyncset.done $0x0  }
0x87: {  	s31 =	simm.s32 $0x0;
	[sflag:s17] =	ssyncadd.s32 $0xFFFFC000  }
0x88: {  	[tilespmem:s31], [sflag:$0x3] =	stream.linear.gather [hbm4b:s8+s31], $0x1400, $0x38;
	[tilespmem:$0x1E800] =	vst v63  }
0x89: {  	_ =	swait.ge [sflag:s17], $0x1400  }
0x8a: {  	[sflag:s17] =	ssyncset.done $0x0  }
0x8b: {  	[sflag:s17] =	ssyncadd.s32 $0xFFFFEC00  }
0x8c: {  	[tilespmem:s18], [sflag:$0x3] =	stream.linear.gather [hbm4b:s9+s31], $0x1400, $0x38;
	[tilespmem:$0x1E800] =	vst v63  }
0x8d: {  	_ =	swait.ge [sflag:s17], $0x1400  }
0x8e: {  	[sflag:s17] =	ssyncset.done $0x0  }
0x8f: {  	[sflag:s17] =	ssyncadd.s32 $0xFFFFEC00  }
0x90: {  	[tilespmem:s16], [sflag:$0x1] =	stream.indirect.gather [hbm4b:s1+s20], $0x80, s31, s20, $0xb8;
	[tilespmem:$0x1E800] =	vst v63  }
0x91: {  	s30 =	simm.s32 $0x80  }
0x92: {  	[tilespmem:s21], [sflag:$0x2] =	stream.indirect.gather [hbm4b:s1+s20], $0x80, s30, s20, $0xb8;
	[tilespmem:$0x1E800] =	vst v63  }
0x93: {  	_ =	swait.ge [sflag:s19], $0x4000  }
0x94: {  	[sflag:s19] =	ssyncset.done $0x0  }
0x95: {  	s31 =	simm.s32 $0x1400;
	[sflag:s19] =	ssyncadd.s32 $0xFFFFC000  }
0x96: {  	[spmem:s2] =	stream.indirect.scatter.add.f32 [tilespmem:s16], [sflag:$0x3], $0x80, s31, s20, $0xb8;
	[tilespmem:$0x1E800] =	vst v63  }
0x97: {  	_ =	swait.ge [sflag:s17], $0x4000  }
0x98: {  	[sflag:s17] =	ssyncset.done $0x0  }
0x99: {  	s30 =	simm.s32 $0x100;
	[sflag:s17] =	ssyncadd.s32 $0xFFFFC000  }
0x9a: {  	[tilespmem:s16], [sflag:$0x1] =	stream.indirect.gather [hbm4b:s1+s20], $0x80, s30, s20, $0xb8;
	[tilespmem:$0x1E800] =	vst v63  }
0x9b: {  	_ =	swait.ge [sflag:s22], $0x4000  }
0x9c: {  	[sflag:s22] =	ssyncset.done $0x0  }
0x9d: {  	s31 =	simm.s32 $0x1480;
	[sflag:s22] =	ssyncadd.s32 $0xFFFFC000  }
0x9e: {  	[spmem:s2] =	stream.indirect.scatter.add.f32 [tilespmem:s21], [sflag:$0x3], $0x80, s31, s20, $0xb8;
	[tilespmem:$0x1E800] =	vst v63  }
0x9f: {  	_ =	swait.ge [sflag:s17], $0x4000  }
0xa0: {  	s29 =	simm.s32 $0x800;
	s28 =	simm.s32 $0x100;
	[sflag:s17] =	ssyncset.done $0x0  }
.LBB2_6:
0xa1: {  	s0 =	sadd.s32 $0x80, s28  }
0xa2: {  	[sflag:s17] =	ssyncadd.s32 $0xFFFFC000;
	s30 =	smov.u32 s29;
	s31 =	sadd.s32 $0x400, s29  }
0xa3: {  	[tilespmem:s21], [sflag:$0x2] =	stream.indirect.gather [hbm4b:s1+s20], $0x80, s0, s20, $0xb8;
	[tilespmem:$0x1E800] =	vst v63  }
0xa4: {  	p0 =	sne.s32 s29, $0x4800;
	_ =	swait.ge [sflag:s19], $0x4000  }
0xa5: {  	[sflag:s19] =	ssyncset.done $0x0  }
0xa6: {  	s0 =	sadd.s32 $0x1400, s28;
	[sflag:s19] =	ssyncadd.s32 $0xFFFFC000  }
0xa7: {  	[spmem:s2] =	stream.indirect.scatter.add.f32 [tilespmem:s16], [sflag:$0x3], $0x80, s0, s20, $0xb8;
	[tilespmem:$0x1E800] =	vst v63  }
0xa8: {  	_ =	swait.ge [sflag:s17], $0x4000  }
0xa9: {  	[sflag:s17] =	ssyncset.done $0x0  }
0xaa: {  	s0 =	sadd.s32 $0x100, s28;
	[sflag:s17] =	ssyncadd.s32 $0xFFFFC000  }
0xab: {  	[tilespmem:s16], [sflag:$0x1] =	stream.indirect.gather [hbm4b:s1+s20], $0x80, s0, s20, $0xb8;
	[tilespmem:$0x1E800] =	vst v63  }
0xac: {  	_ =	swait.ge [sflag:s22], $0x4000  }
.Ltmp2:
0xad: {  	[sflag:s22] =	ssyncset.done $0x0;
	(pc) =	sbr.rel @p0 .LBB2_6-.Ltmp2, $4  }
0xae: {  	s0 =	sadd.s32 $0x1480, s28;
	[sflag:s22] =	ssyncadd.s32 $0xFFFFC000  }
0xaf: {  	[spmem:s2] =	stream.indirect.scatter.add.f32 [tilespmem:s21], [sflag:$0x3], $0x80, s0, s20, $0xb8;
	[tilespmem:$0x1E800] =	vst v63  }
0xb0: {  	_ =	swait.ge [sflag:s17], $0x4000  }
0xb1: {  	s29 =	smov.u32 s31;
	s28 =	sshra.s32 s30, $0x2;
	[sflag:s17] =	ssyncset.done $0x0  }
0xb2: {  	s0 =	sadd.s32 $0x80, s28;
	[sflag:s17] =	ssyncadd.s32 $0xFFFFC000  }
0xb3: {  	[tilespmem:s21], [sflag:$0x2] =	stream.indirect.gather [hbm4b:s1+s20], $0x80, s0, s20, $0xb8;
	[tilespmem:$0x1E800] =	vst v63  }
0xb4: {  	_ =	swait.ge [sflag:s19], $0x4000  }
0xb5: {  	[sflag:s19] =	ssyncset.done $0x0  }
0xb6: {  	s31 =	sadd.s32 $0x1400, s28;
	[sflag:s19] =	ssyncadd.s32 $0xFFFFC000  }
0xb7: {  	[spmem:s2] =	stream.indirect.scatter.add.f32 [tilespmem:s16], [sflag:$0x3], $0x80, s31, s20, $0xb8;
	[tilespmem:$0x1E800] =	vst v63  }
0xb8: {  	_ =	swait.ge [sflag:s17], $0x4000  }
0xb9: {  	[sflag:s17] =	ssyncset.done $0x0  }
0xba: {  	s29 =	sadd.s32 $0x100, s28;
	[sflag:s17] =	ssyncadd.s32 $0xFFFFC000  }
0xbb: {  	[tilespmem:s16], [sflag:$0x1] =	stream.indirect.gather [hbm4b:s1+s20], $0x80, s29, s20, $0xb8;
	[tilespmem:$0x1E800] =	vst v63  }
0xbc: {  	_ =	swait.ge [sflag:s22], $0x4000  }
0xbd: {  	[sflag:s22] =	ssyncset.done $0x0  }
0xbe: {  	s30 =	sadd.s32 $0x1480, s28;
	[sflag:s22] =	ssyncadd.s32 $0xFFFFC000  }
0xbf: {  	[spmem:s2] =	stream.indirect.scatter.add.f32 [tilespmem:s21], [sflag:$0x3], $0x80, s30, s20, $0xb8;
	[tilespmem:$0x1E800] =	vst v63  }
0xc0: {  	_ =	swait.ge [sflag:s17], $0x4000  }
0xc1: {  	[sflag:s17] =	ssyncset.done $0x0  }
0xc2: {  	[sflag:s17] =	ssyncadd.s32 $0xFFFFC000  }
0xc3: {  	[tilespmem:s21], [sflag:$0x2] =	stream.indirect.gather [hbm4b:s1+s20], $0x80, s23, s20, $0xb8;
	[tilespmem:$0x1E800] =	vst v63  }
0xc4: {  	_ =	swait.ge [sflag:s19], $0x4000  }
0xc5: {  	[sflag:s19] =	ssyncset.done $0x0  }
0xc6: {  	[sflag:s19] =	ssyncadd.s32 $0xFFFFC000  }
0xc7: {  	[spmem:s2] =	stream.indirect.scatter.add.f32 [tilespmem:s16], [sflag:$0x3], $0x80, s24, s20, $0xb8;
	[tilespmem:$0x1E800] =	vst v63  }
0xc8: {  	_ =	swait.ge [sflag:s17], $0x4000  }
0xc9: {  	[sflag:s17] =	ssyncset.done $0x0  }
0xca: {  	[sflag:s17] =	ssyncadd.s32 $0xFFFFC000  }
0xcb: {  	_ =	swait.ge [sflag:s22], $0x4000  }
0xcc: {  	[sflag:s22] =	ssyncset.done $0x0  }
0xcd: {  	[sflag:s22] =	ssyncadd.s32 $0xFFFFC000  }
0xce: {  	[spmem:s2] =	stream.indirect.scatter.add.f32 [tilespmem:s21], [sflag:$0x3], $0x80, s26, s20, $0xb8;
	[tilespmem:$0x1E800] =	vst v63  }
0xcf: {  	_ =	swait.ge [sflag:s17], $0x4000  }
0xd0: {  	s4 =	sadd.s32 $0x1, s4;
	[sflag:s17] =	ssyncset.done $0x0  }
0xd1: {  	p0 =	sne.s32 s4, s11;
	s31 =	sshll.u32 s3, $0x6;
	[sflag:s17] =	ssyncadd.s32 $0xFFFFC000  }
.Ltmp3:
0xd2: {  	s0 =	sor.u32 $0x1C03, s31;
	[bflag:$0x0] =	sbarrier.arrive $0xFFFF;
	(pc) =	sbr.rel @p0 .LBB2_1-.Ltmp3, $4  }
0xd3: {  	[hbm:s10], [sflag:s0] =	dma.local [spmem:s25], $0x2800  }
0xd4: {  	_ =	swait.ge [sflag:s17], $0x2800  }
0xd5: {  	[sflag:s17] =	ssyncset.done $0x0  }
0xd6: {  	[sflag:s17] =	ssyncadd.s32 $0xFFFFD800  }
0xd7: {  	_ =	sfence.sel $0x180000  }
0xd8: {  	[bflag:$0x0] =	sbarrier.arrive $0xFFFF  }
0xd9: {  	_ =	strace $0x9000004D  }
0xda: {  	[bflag:$0x2] =	sbarrier.arrive $0xFFFF  }
0xdb: {  	p0 =	sne.s32 s3, $0x0;
	s0 =	rddreg [dreg:$0x3]  }
0xdc: {  	s0 =	sadd.s32 @!p0 $0x100000, s0  }
0xdd: {  	[sflag:s0] =	ssyncadd.tile.s32 @!p0 $0x1;
	_ =	shalt  }
.Lfunc_end2:
_tile_overlayer_lowered:
.L_overlay_start_2:
0xde: {  	(tag) =	ssettag $0x2  }
0xdf: {  	s0 =	rddreg [dreg:$0x0];
	s2 =	stileid.u32  }
0xe0: {  	s1 =	rddreg [dreg:$0x1];
	p0 =	sne.s32 s2, $0x0  }
0xe1: {  	s3 =	rddreg [dreg:$0x2];
	[bflag:$0x3] =	sbarrier.arrive $0xFFFF;
	s2 =	simm.s32 @!p0 $0x1C03  }
0xe2: {  	[timem:s3], [sflag:s2] =	dma.local @!p0 [hbm:s0], s1  }
0xe3: {  	s0 =	simm.s32 @!p0 $0x3  }
0xe4: {  	_ =	swait.ge @!p0 [sflag:s0], s1  }
0xe5: {  	s1 =	ssub.s32 @!p0 $0x0, s1;
	[sflag:s0] =	ssyncset.done @!p0 $0x0  }
0xe6: {  	[sflag:s0] =	ssyncadd.s32 @!p0 s1  }
0xe7: {  	[bflag:$0x3] =	sbarrier.arrive $0xFFFF  }
0xe8: {  	_ =	shalt  }

// kernel: kernel.8.cloned.1.call-start
scs
__scs_entry_jumppad:
0x0: {  	(pc) =	sbr.rel $0x88, $3  }
0x1: {  	(tag) =	ssettag $0x0;
	lr =	simm.s32 $0x1  }
0x2: {  	[smem:$0x3F9B] =	sst lr;
	_ =	strace $0xD0000000  }
0x3: {  	_ = 	snop  }
0x4: {  	_ = 	snop  }
0x5: {  	_ = 	snop  }
0x6: {  	_ = 	snop  }
0x7: {  	_ = 	snop  }
__scs_overlays_trampoline_lowered:
0x8: {  	[smem:$0x3FAA] =	sst s0  }
0x9: {  	[smem:$0x3FAB] =	sst s1  }
0xa: {  	[smem:$0x3FAC] =	sst s2  }
0xb: {  	[smem:$0x3FAD] =	sst s3  }
0xc: {  	[smem:$0x3FAE] =	sst s4  }
0xd: {  	[smem:$0x3FAF] =	sst s5  }
0xe: {  	[smem:$0x3FB0] =	sst s6  }
0xf: {  	[smem:$0x3FB1] =	sst s7  }
0x10: {  	[smem:$0x3FB2] =	sst s8  }
0x11: {  	[smem:$0x3FB3] =	sst s9;
	s0 =	simm.s32 @!p0 $0x0  }
0x12: {  	s1 =	sld [smem:$0x3F99];
	s0 =	simm.s32 @p0 $0x1  }
0x13: {  	[smem:$0x3FB4] =	sst s0;
	s0 =	simm.s32 @!p1 $0x0  }
0x14: {  	s2 =	sld [smem:$0x3F98];
	s0 =	simm.s32 @p1 $0x1  }
0x15: {  	[smem:$0x3FB5] =	sst s0;
	s0 =	simm.s32 @!p2 $0x0  }
0x16: {  	s3 =	sld [smem:$0x3FDB];
	s0 =	simm.s32 @p2 $0x1  }
0x17: {  	s4 =	simm.s32 $0x1BF5;
	[smem:$0x3FB7] =	sst s0  }
0x18: {  	s0 =	sld [smem:$0x3F9A];
	_ =	swait.ge [sflag:s4], $0x0  }
0x19: {  	s7 =	sld [smem:$0x3F9B]  }
0x1a: {  	s8 =	sadd.s32 $0xFFFFE003, lr  }
0x1b: {  	s9 =	sadd.s32 $0xFFFFFEF7, lr;
	s5 =	simm.s32 $0xFFFFFFFF;
	p2 =	slt.u32 s8, $0xFFFFF086  }
0x1c: {  	p1 =	slt.u32 s9, $0xF7A;
	s5 =	simm.s32 @!p2 $0x0  }
0x1d: {  	s5 =	simm.s32 @p1 $0x1;
	p0 =	seq.s32 s7, s2  }
0x1e: {  	s7 =	smul.u32 @!p0 $0xF7A, s2;
	p2 =	seq.s32 @!p0 s5, $0x0  }
0x1f: {  	s9 =	smul.u32 $0xF7A, s1;
	s8 =	simm.s32 @!p0 $0x1BF5;
	p2 =	por !p2, p0  }
0x20: {  	[sflag:s8] =	ssyncset.s32 @!p0 $0xFFFFF086;
	s6 =	sadd.s32 @!p0 s3, s7;
	s7 =	simm.s32 @!p0 $0x108  }
0x21: {  	s3 =	sadd.s32 s3, s9;
	s6 =	sadd.s32 @!p0 $0x88, s6;
	s7 =	simm.s32 @p2 $0x1082  }
0x22: {  	[simem:s7], [sflag:s8] =	dma.local @!p0 [hbm:s6], $0xF7A  }
0x23: {  	s9 =	sor.u32 $0xD0000000, s2;
	s6 =	simm.s32 $0x108;
	_ =	swait.ge @!p0 [sflag:s8], $0x0  }
0x24: {  	s3 =	sadd.s32 $0x88, s3;
	s6 =	simm.s32 @!p1 $0x1082;
	[sflag:s4] =	ssyncset.s32 $0xFFFFF086  }
0x25: {  	[simem:s6], [sflag:s4] =	dma.local [hbm:s3], $0xF7A  }
0x26: {  	[smem:$0x3F9B] =	sst s1;
	(tag) =	ssettag s2;
	_ =	strace s9  }
0x27: {  	s1 =	sld [smem:$0x3FAB]  }
0x28: {  	s2 =	sld [smem:$0x3FAC]  }
0x29: {  	s4 =	sld [smem:$0x3FAE]  }
0x2a: {  	p0 =	seq.s32 s5, $0x0;
	s5 =	sld [smem:$0x3FAF]  }
0x2b: {  	s6 =	sld [smem:$0x3FB0]  }
0x2c: {  	s7 =	sld [smem:$0x3FB1]  }
0x2d: {  	s3 =	simm.s32 $0x108;
	s8 =	sld [smem:$0x3FB2]  }
0x2e: {  	s3 =	simm.s32 @!p0 $0x1082;
	s9 =	sld [smem:$0x3FB3]  }
0x2f: {  	lr =	sadd.s32 s0, s3;
	s0 =	sld [smem:$0x3FAA]  }
0x30: {  	s3 =	sld [smem:$0x3FAD]  }
0x31: {  	[smem:$0x3FB6] =	sst s10  }
0x32: {  	s10 =	sld [smem:$0x3FB4];
	_ =	sdelay $0x3  }
0x33: {  	p0 =	seq.s32 s10, $0x1;
	s10 =	sld [smem:$0x3FB6];
	_ =	sdelay $0x3  }
0x34: {  	[smem:$0x3FB6] =	sst s10  }
0x35: {  	s10 =	sld [smem:$0x3FB5];
	_ =	sdelay $0x3  }
0x36: {  	p1 =	seq.s32 s10, $0x1;
	s10 =	sld [smem:$0x3FB6];
	_ =	sdelay $0x3  }
0x37: {  	[smem:$0x3FB6] =	sst s10  }
0x38: {  	s10 =	sld [smem:$0x3FB7]  }
0x39: {  	_ = 	snop;
	(pc) =	sbr.ind lr, $3  }
0x3a: {  	_ = 	snop  }
0x3b: {  	_ = 	snop  }
0x3c: {  	p2 =	seq.s32 s10, $0x1;
	s10 =	sld [smem:$0x3FB6]  }
0x3d: {  	_ =	shalt  }
0x3e: {  	_ =	shalt  }
0x3f: {  	_ =	shalt  }
0x40: {  	_ =	shalt  }
0x41: {  	_ =	shalt  }
0x42: {  	_ =	shalt  }
0x43: {  	_ =	shalt  }
0x44: {  	_ =	shalt  }
0x45: {  	_ =	shalt  }
0x46: {  	_ =	shalt  }
0x47: {  	_ =	shalt  }
0x48: {  	_ =	shalt  }
0x49: {  	_ =	shalt  }
0x4a: {  	_ =	shalt  }
0x4b: {  	_ =	shalt  }
0x4c: {  	_ =	shalt  }
0x4d: {  	_ =	shalt  }
0x4e: {  	_ =	shalt  }
0x4f: {  	_ =	shalt  }
0x50: {  	_ =	shalt  }
0x51: {  	_ =	shalt  }
0x52: {  	_ =	shalt  }
0x53: {  	_ =	shalt  }
0x54: {  	_ =	shalt  }
0x55: {  	_ =	shalt  }
0x56: {  	_ =	shalt  }
0x57: {  	_ =	shalt  }
0x58: {  	_ =	shalt  }
0x59: {  	_ =	shalt  }
0x5a: {  	_ =	shalt  }
0x5b: {  	_ =	shalt  }
0x5c: {  	_ =	shalt  }
0x5d: {  	_ =	shalt  }
0x5e: {  	_ =	shalt  }
0x5f: {  	_ =	shalt  }
0x60: {  	_ =	shalt  }
0x61: {  	_ =	shalt  }
0x62: {  	_ =	shalt  }
0x63: {  	_ =	shalt  }
0x64: {  	_ =	shalt  }
0x65: {  	_ =	shalt  }
0x66: {  	_ =	shalt  }
0x67: {  	_ =	shalt  }
0x68: {  	_ =	shalt  }
0x69: {  	_ =	shalt  }
0x6a: {  	_ =	shalt  }
0x6b: {  	_ =	shalt  }
0x6c: {  	_ =	shalt  }
0x6d: {  	_ =	shalt  }
0x6e: {  	_ =	shalt  }
0x6f: {  	_ =	shalt  }
0x70: {  	_ =	shalt  }
0x71: {  	_ =	shalt  }
0x72: {  	_ =	shalt  }
0x73: {  	_ =	shalt  }
0x74: {  	_ =	shalt  }
0x75: {  	_ =	shalt  }
0x76: {  	_ =	shalt  }
0x77: {  	_ =	shalt  }
0x78: {  	_ =	shalt  }
0x79: {  	_ =	shalt  }
0x7a: {  	_ =	shalt  }
0x7b: {  	_ =	shalt  }
0x7c: {  	_ =	shalt  }
0x7d: {  	_ =	shalt  }
0x7e: {  	_ =	shalt  }
0x7f: {  	_ =	shalt  }
0x80: {  	_ =	shalt  }
0x81: {  	_ =	shalt  }
0x82: {  	_ =	shalt  }
0x83: {  	_ =	shalt  }
0x84: {  	_ =	shalt  }
0x85: {  	_ =	shalt  }
0x86: {  	_ =	shalt  }
0x87: {  	_ =	shalt  }
.Lfunc_end0:
.L_simem_size_0:
called_computation_lowered:
.L_overlay_start_0:
0x88: {  	s2 =	sld [smem:$0x3FD9]  }
0x89: {  	s3 =	sld [smem:$0x3FFE];
	_ =	sdelay $0x1  }
0x8a: {  	s1 =	srdreg.scid  }
0x8b: {  	s0 =	sand.u32 $0x1, s1  }
0x8c: {  	s17 =	sshll.u32 s0, $0xA;
	s2 =	sadd.s32 s3, s2  }
0x8d: {  	s2 =	sadd.s32 s2, s17  }
0x8e: {  	[smem:$0x3FC2] =	sst s2  }
0x8f: {  	_ = 	snop  }
0x90: {  	s2 =	sld [smem:$0x3FD0];
	(tm) =	ssettm $0x1  }
0x91: {  	s18 =	sld [smem:$0x3FFB];
	_ =	sdelay $0x3  }
0x92: {  	_ =	strace s18  }
0x93: {  	s3 =	sld [smem:$0x3FFC];
	_ =	sdelay $0x3  }
0x94: {  	_ =	strace s3  }
0x95: {  	s3 =	sld [smem:$0x3FFD];
	_ =	sdelay $0x3  }
0x96: {  	_ =	strace s3  }
0x97: {  	_ =	strace $0x8FFFFFFF  }
0x98: {  	s19 =	sld [smem:$0x3FDB];
	_ =	sdelay $0x1  }
0x99: {  	s4 =	simm.s32 $_scs_section_size  }
0x9a: {  	s5 =	simm.s32 $_size__tile_overlayer_lowered;
	s6 =	simm.s32 $_tile_overlayer_lowered  }
0x9b: {  	s22 =	simm.s32 $0x1BFF;
	s21 =	sshll.u32 s6, $0x1;
	s3 =	sadd.s32 s4, s19  }
0x9c: {  	s7 =	simm.s32 $0x0;
	s20 =	sshll.u32 s5, $0x1;
	s5 =	sadd.s32 s21, s3  }
0x9d: {  	[timem:s7], [sflag:s22] =	dma.local [hbm:s5], s20  }
0x9e: {  	_ =	swait.ge [sflag:s22], s20  }
0x9f: {  	s4 =	ssub.s32 $0x0, s20;
	[sflag:s22] =	ssyncset.done $0x0  }
0xa0: {  	[sflag:s22] =	ssyncadd.s32 s4;
	_ =	sdelay $0x1  }
0xa1: {  	s23 =	simm.s32 $0x1B8B  }
0xa2: {  	_ =	swait.ge [sflag:s23], $0x1  }
0xa3: {  	[sflag:s23] =	ssyncset.done $0x0  }
0xa4: {  	s25 =	simm.s32 $0x1B8E;
	s24 =	sld [smem:$0x3FFE];
	[sflag:s23] =	ssyncadd.s32 $0xFFFFFFFF  }
0xa5: {  	s26 =	simm.s32 $execute0_lowered;
	[smem:$0x3FD2] =	sst s25  }
0xa6: {  	s5 =	sshll.u32 s26, $0x1;
	_ =	strace $0x80000046;
	[dreg:$0x1] =	wrdreg $0xFFFFFFFF  }
0xa7: {  	s28 =	simm.s32 $_size_execute0_lowered;
	s3 =	sadd.s32 s3, s5;
	[dreg:$0x0] =	wrdreg $0x0  }
0xa8: {  	s5 =	sshll.u32 s28, $0x1;
	[dreg:$0x2] =	wrdreg s3  }
0xa9: {  	[dreg:$0x3] =	wrdreg s5  }
0xaa: {  	[dreg:$0x4] =	wrdreg $0xC0  }
0xab: {  	_ =	task [dreg:s7], $0x5FFFF  }
0xac: {  	[dreg:$0x1] =	wrdreg $0xFFFFFFFF  }
0xad: {  	[dreg:$0x0] =	wrdreg $0x60  }
0xae: {  	[dreg:$0x2] =	wrdreg s24  }
0xaf: {  	[dreg:$0x3] =	wrdreg s2  }
0xb0: {  	[dreg:$0x4] =	wrdreg $0x29000  }
0xb1: {  	[dreg:$0x5] =	wrdreg $0x9  }
0xb2: {  	_ =	task.clear_ibuf [dreg:s7], $0x6FFFF;
	_ =	strace $0x90000046  }
0xb3: {  	s29 =	simm.s32 $0x9;
	_ =	strace $0x80000048  }
0xb4: {  	_ =	swait.ge [sflag:s29], $0x1  }
0xb5: {  	[sflag:s29] =	ssyncadd.s32 $0xFFFFFFFF  }
0xb6: {  	_ =	strace $0x90000048  }
0xb7: {  	_ =	sfence  }
0xb8: {  	s30 =	sld [smem:$0x0];
	_ =	sdelay $0x2  }
0xb9: {  	s31 =	sshll.u32 s1, $0xD;
	s1 =	sshrl.u32 s1, $0x2  }
0xba: {  	s3 =	sand.u32 $0x4000, s31;
	s1 =	sadd.s32 s1, s30  }
0xbb: {  	s0 =	sor.u32 s3, s0;
	s1 =	sshll.u32 s1, $0x11  }
0xbc: {  	s0 =	sor.u32 s1, s0  }
0xbd: {  	s0 =	sadd.s32 $0x8F2B, s0  }
0xbe: {  	[sflag:s0] =	ssyncadd.remote.s32 $0x1  }
0xbf: {  	_ =	sfence.sel $0xFFFF  }
0xc0: {  	[dreg:$0x0] =	wrdreg $0xFFFFFFFF;
	(pc) =	sbr.abs _section_cstart, $3  }
0xc1: {  	[dreg:$0x1] =	wrdreg $0xFFFFFFFF  }
0xc2: {  	_ =	task.clear_ibuf [dreg:s7], $0x2FFFF;
	_ =	strace $0x9FFFFFFF  }
0xc3: {  	(tm) =	ssettm $0x7FFFFFFF  }
tec
execute0_lowered:
.L_overlay_start_1:
0x0: {  	(tag) =	ssettag $0x1  }
0x1: {  	s5 =	rddreg [dreg:$0x0]  }
0x2: {  	s6 =	rddreg [dreg:$0x1]  }
0x3: {  	s0 =	srdreg.scid;
	s2 =	rddreg [dreg:$0x2];
	s3 =	simm.s32 $0x0  }
0x4: {  	s12 =	simm.s32 $0x2880;
	s13 =	simm.s32 $0x2;
	s14 =	simm.s32 $0x1  }
0x5: {  	s15 =	simm.s32 $0x80;
	s16 =	simm.s32 $0x2800;
	s4 =	sand.u32 $0x1, s0  }
0x6: {  	s19 =	simm.s32 $0x0;
	s0 =	stileid.u32;
	s8 =	smul.u32 $0x2800, s4  }
0x7: {  	[smem:$0x7FF] =	sst s3;
	s1 =	sshll.u32 s4, $0x4;
	s9 =	smul.u32 $0x280, s0  }
0x8: {  	s4 =	ssub.s32 $0x2, s4;
	s10 =	smul.u32 $0xA00, s0;
	s17 =	sshll.u32 s0, $0x6  }
0x9: {  	s1 =	sor.u32 s0, s1;
	s30 =	sshrl.u32 s4, $0x1;
	s17 =	sor.u32 $0x1C02, s17  }
0xa: {  	s7 =	smul.u32 $0x500, s1;
	s1 =	rddreg [dreg:$0x3];
	_ =	strace $0x80000047  }
0xb: {  	s8 =	sadd.s32 s9, s8;
	s31 =	sshrl.u32 s10, $0x2;
	s18 =	sadd.s32 s9, s2  }
0xc: {  	s8 =	sshrl.u32 s8, $0x3;
	s18 =	sshrl.u32 s18, $0x3;
	s5 =	sadd.s32 s7, s5  }
0xd: {  	s7 =	ssub.s32 s4, s30;
	s4 =	sadd.s32 s31, s2;
	s6 =	sadd.s32 s6, s8  }
0xe: {  	s5 =	sadd.s32 $0x2C00, s5;
	s7 =	smax.u32 s7, $0x1;
	s8 =	sadd.s32 $0x80, s4  }
0xf: {  	v0 =	vimm.f32 $1.000000000e+00;
	v1 =	vimm.f32 $0.0e+00;
	s9 =	sadd.s32 $0x100, s4;
	s10 =	sadd.s32 $0x180, s4;
	s11 =	sadd.s32 $0x200, s4  }
.LBB2_1:
0x10: {  	[tilespmem:$0x2800] =	vst v0  }
0x11: {  	[tilespmem:$0x2880] =	vst v1  }
0x12: {  	[tilespmem:$0x2810] =	vst v0  }
0x13: {  	[tilespmem:$0x2890] =	vst v1  }
0x14: {  	[tilespmem:$0x2820] =	vst v0  }
0x15: {  	[tilespmem:$0x28A0] =	vst v1  }
0x16: {  	[tilespmem:$0x2830] =	vst v0  }
0x17: {  	[tilespmem:$0x28B0] =	vst v1  }
0x18: {  	[tilespmem:$0x2840] =	vst v0  }
0x19: {  	[tilespmem:$0x28C0] =	vst v1  }
0x1a: {  	[tilespmem:$0x2850] =	vst v0  }
0x1b: {  	[tilespmem:$0x28D0] =	vst v1  }
0x1c: {  	[tilespmem:$0x2860] =	vst v0  }
0x1d: {  	[tilespmem:$0x28E0] =	vst v1  }
0x1e: {  	[tilespmem:$0x2870] =	vst v0  }
0x1f: {  	[tilespmem:$0x28F0] =	vst v1  }
0x20: {  	[spmem:s4] =	stream.linear.scatter [tilespmem:s12], [sflag:$0x1], $0x80, $0x38;
	[tilespmem:$0x2B80] =	vst v63  }
0x21: {  	_ = 	snop  }
0x22: {  	[spmem:s8] =	stream.linear.scatter [tilespmem:s12], [sflag:$0x1], $0x80, $0x38;
	[tilespmem:$0x2B80] =	vst v63  }
0x23: {  	_ = 	snop  }
0x24: {  	[spmem:s9] =	stream.linear.scatter [tilespmem:s12], [sflag:$0x1], $0x80, $0x38;
	[tilespmem:$0x2B80] =	vst v63  }
0x25: {  	_ = 	snop  }
0x26: {  	[spmem:s10] =	stream.linear.scatter [tilespmem:s12], [sflag:$0x1], $0x80, $0x38;
	[tilespmem:$0x2B80] =	vst v63  }
0x27: {  	_ = 	snop  }
0x28: {  	[spmem:s11] =	stream.linear.scatter [tilespmem:s12], [sflag:$0x1], $0x80, $0x38;
	[tilespmem:$0x2B80] =	vst v63  }
0x29: {  	_ = 	snop  }
0x2a: {  	[tilespmem:s3], [sflag:$0x2] =	stream.linear.gather [hbm4b:s5+s3], $0x2800, $0x38;
	[tilespmem:$0x2B80] =	vst v63  }
0x2b: {  	_ =	swait.ge [sflag:s13], $0x2800  }
0x2c: {  	[sflag:s13] =	ssyncset.done $0x0  }
0x2d: {  	[sflag:s13] =	ssyncadd.s32 $0xFFFFD800  }
0x2e: {  	_ =	swait.ge [sflag:s14], $0x80  }
0x2f: {  	[sflag:s14] =	ssyncset.done $0x0  }
0x30: {  	[sflag:s14] =	ssyncadd.s32 $0xFFFFFF80  }
0x31: {  	_ =	swait.ge [sflag:s14], $0x80  }
0x32: {  	[sflag:s14] =	ssyncset.done $0x0  }
0x33: {  	[sflag:s14] =	ssyncadd.s32 $0xFFFFFF80  }
0x34: {  	_ =	swait.ge [sflag:s14], $0x80  }
0x35: {  	[sflag:s14] =	ssyncset.done $0x0  }
0x36: {  	[sflag:s14] =	ssyncadd.s32 $0xFFFFFF80  }
0x37: {  	_ =	swait.ge [sflag:s14], $0x80  }
0x38: {  	[sflag:s14] =	ssyncset.done $0x0  }
0x39: {  	[sflag:s14] =	ssyncadd.s32 $0xFFFFFF80  }
0x3a: {  	_ =	swait.ge [sflag:s14], $0x80  }
0x3b: {  	[sflag:s14] =	ssyncset.done $0x0  }
0x3c: {  	[sflag:s14] =	ssyncadd.s32 $0xFFFFFF80  }
0x3d: {  	s20 =	simm.s32 $0x0;
	[bflag:$0x0] =	sbarrier.arrive $0xFFFF  }
.LBB2_2:
0x3e: {  	p0 =	sne.s32 s20, $0x9E00  }
.Ltmp0:
0x3f: {  	_ = 	snop;
	(pc) =	sbr.rel @p0 .LBB2_2-.Ltmp0, $3  }
0x40: {  	_ =	sdelay $0x1  }
0x41: {  	s21 =	sshra.s32 s20, $0x2;
	s20 =	sadd.s32 $0x200, s20  }
0x42: {  	[spmem:s2] =	stream.indirect.scatter.add.f32 [tilespmem:s16], [sflag:$0x1], $0x1, s21, s15, $0xb8;
	[tilespmem:$0x2B80] =	vst v63  }
0x43: {  	_ =	swait.ge [sflag:s14], $0x80  }
0x44: {  	s20 =	simm.s32 $0x4F;
	[sflag:s14] =	ssyncset.done $0x0  }
.LBB2_4:
0x45: {  	p0 =	sne.s32 s20, $0x1;
	s20 =	sadd.s32 $0xFFFFFFFF, s20;
	[sflag:s14] =	ssyncadd.s32 $0xFFFFFF80  }
.Ltmp1:
0x46: {  	(pc) =	sbr.rel @p0 .LBB2_4-.Ltmp1, $3  }
0x47: {  	_ =	sdelay $0x1  }
0x48: {  	_ =	swait.ge [sflag:s14], $0x80  }
0x49: {  	[sflag:s14] =	ssyncset.done $0x0  }
0x4a: {  	s19 =	sadd.s32 $0x1, s19  }
0x4b: {  	[sflag:s14] =	ssyncadd.s32 $0xFFFFFF80;
	p0 =	sne.s32 s19, s7  }
.Ltmp2:
0x4c: {  	[bflag:$0x0] =	sbarrier.arrive $0xFFFF;
	(pc) =	sbr.rel @p0 .LBB2_1-.Ltmp2, $4  }
0x4d: {  	[hbm:s6], [sflag:s17] =	dma.local [spmem:s18], $0x50  }
0x4e: {  	_ =	swait.ge [sflag:s13], $0x50  }
0x4f: {  	[sflag:s13] =	ssyncset.done $0x0  }
0x50: {  	[sflag:s13] =	ssyncadd.s32 $0xFFFFFFB0  }
0x51: {  	_ =	sfence.sel $0x180000  }
0x52: {  	[bflag:$0x0] =	sbarrier.arrive $0xFFFF  }
0x53: {  	p0 =	sne.s32 s0, $0x0;
	_ =	strace $0x90000047  }
0x54: {  	s0 =	sadd.s32 @!p0 $0x100000, s1;
	[bflag:$0x2] =	sbarrier.arrive $0xFFFF  }
0x55: {  	[sflag:s0] =	ssyncadd.tile.s32 @!p0 $0x1;
	_ =	shalt  }
.Lfunc_end2:
_tile_overlayer_lowered:
.L_overlay_start_2:
0x56: {  	(tag) =	ssettag $0x2  }
0x57: {  	s0 =	rddreg [dreg:$0x0];
	s2 =	stileid.u32  }
0x58: {  	s1 =	rddreg [dreg:$0x1];
	p0 =	sne.s32 s2, $0x0  }
0x59: {  	s3 =	rddreg [dreg:$0x2];
	[bflag:$0x3] =	sbarrier.arrive $0xFFFF;
	s2 =	simm.s32 @!p0 $0x1C02  }
0x5a: {  	[timem:s3], [sflag:s2] =	dma.local @!p0 [hbm:s0], s1  }
0x5b: {  	s0 =	simm.s32 @!p0 $0x2  }
0x5c: {  	_ =	swait.ge @!p0 [sflag:s0], s1  }
0x5d: {  	s1 =	ssub.s32 @!p0 $0x0, s1;
	[sflag:s0] =	ssyncset.done @!p0 $0x0  }
0x5e: {  	[sflag:s0] =	ssyncadd.s32 @!p0 s1  }
0x5f: {  	[bflag:$0x3] =	sbarrier.arrive $0xFFFF  }
0x60: {  	_ =	shalt  }

</sc_bundles>
